<compile_context>
chip_gen: v7x
topology: tpu7x:2x2x1
jax: 0.10.2.dev20260603
libtpu: 0.0.44.dev20260713+nightly
codegen_flags: <defaults>
</compile_context>

<pallas_src>
import functools

import numpy as np
import jax
import jax.numpy as jnp
from jax import lax
from jax.experimental import pallas as pl
from jax.experimental.pallas import tpu as pltpu
from jax.experimental.pallas import tpu_sc as plsc

B, F = 4096, 1000
TILE = 512
NSTEPS = B // TILE

NC, NS = 2, 16
NW = NC * NS
QROWS = B // NW
ZCH = 8

_ROTS = ((13, 15, 26, 6), (17, 29, 16, 24))


def _np_threefry_pair(k0, k1, x0, x1):
    k0 = np.uint32(k0); k1 = np.uint32(k1)
    ks = (k0, k1, np.uint32(k0 ^ k1 ^ np.uint32(0x1BD11BDA)))
    x0 = np.uint32((int(x0) + int(k0)) & 0xFFFFFFFF)
    x1 = np.uint32((int(x1) + int(k1)) & 0xFFFFFFFF)
    for d in range(5):
        for r in _ROTS[d % 2]:
            x0 = np.uint32((int(x0) + int(x1)) & 0xFFFFFFFF)
            x1 = np.uint32((x1 << np.uint32(r)) | (x1 >> np.uint32(32 - r)))
            x1 = np.uint32(x1 ^ x0)
        x0 = np.uint32((int(x0) + int(ks[(d + 1) % 3])) & 0xFFFFFFFF)
        x1 = np.uint32((int(x1) + int(ks[(d + 2) % 3]) + d + 1) & 0xFFFFFFFF)
    return int(x0), int(x1)


_KINIT = _np_threefry_pair(0, 42, 0, 0)
_KSTEP = _np_threefry_pair(0, 42, 0, 1)


def _tf_fold_bits(keypair, ctr):
    k0, k1 = keypair
    ks = (jnp.uint32(k0), jnp.uint32(k1), jnp.uint32(k0 ^ k1 ^ 0x1BD11BDA))
    x0 = jnp.zeros_like(ctr) + ks[0]
    x1 = ctr + ks[1]
    for d in range(5):
        for r in _ROTS[d % 2]:
            x0 = x0 + x1
            x1 = (x1 << r) | (x1 >> (32 - r))
            x1 = x1 ^ x0
        x0 = x0 + ks[(d + 1) % 3]
        x1 = x1 + ks[(d + 2) % 3] + jnp.uint32(d + 1)
    return x0 ^ x1


def _body(rew_hbm, choice_ref, gr_ref, buf, sems):
    i = pl.program_id(0)
    slot = lax.rem(i, 2)
    nslot = lax.rem(i + 1, 2)

    @pl.when(i == 0)
    def _():
        pltpu.make_async_copy(
            rew_hbm.at[pl.ds(0, TILE)], buf.at[0], sems.at[0]).start()

    @pl.when(i + 1 < NSTEPS)
    def _():
        pltpu.make_async_copy(
            rew_hbm.at[pl.ds((i + 1) * TILE, TILE)], buf.at[nslot],
            sems.at[nslot]).start()

    rows = lax.broadcasted_iota(jnp.int32, (TILE, F), 0)
    fio = lax.broadcasted_iota(jnp.int32, (TILE, F), 1)
    ctr = ((i * TILE + rows) * F + fio).astype(jnp.uint32)

    v1 = (_tf_fold_bits(_KINIT, ctr) >> 9).astype(jnp.int32)
    m1 = jnp.max(v1, axis=1, keepdims=True)
    c1 = jnp.min(jnp.where(v1 == m1, fio, F), axis=1, keepdims=True)

    pltpu.make_async_copy(
        rew_hbm.at[pl.ds(i * TILE, TILE)], buf.at[slot], sems.at[slot]).wait()
    rew = buf[slot]

    gr = jnp.max(jnp.where(fio == c1, rew, -jnp.inf), axis=1, keepdims=True)
    choice_ref[...] = c1
    gr_ref[...] = gr

    neg = gr == -1.0

    @pl.when(jnp.any(neg))
    def _():
        v2 = (_tf_fold_bits(_KSTEP, ctr) >> 9).astype(jnp.int32)
        v2 = jnp.where(fio == c1, -1, v2)
        m2 = jnp.max(v2, axis=1, keepdims=True)
        c2 = jnp.min(jnp.where(v2 == m2, fio, F), axis=1, keepdims=True)
        choice_ref[...] = jnp.where(neg, c2, c1)


_sc_mesh = plsc.VectorSubcoreMesh(core_axis_name="c", subcore_axis_name="s")


@functools.partial(
    pl.kernel,
    mesh=_sc_mesh,
    out_type=jax.ShapeDtypeStruct((B, F), jnp.float32),
    scratch_types=[pltpu.VMEM((ZCH, F), jnp.float32)],
)
def _sc_zeros(z_hbm, q_hbm, zbuf):
    wid = lax.axis_index("s") * NC + lax.axis_index("c")
    base = wid * QROWS
    pltpu.sync_copy(z_hbm, zbuf)
    for k in range(QROWS // ZCH):
        pltpu.sync_copy(zbuf, q_hbm.at[pl.ds(base + k * ZCH, ZCH)])


def kernel(agent_embedding, agent_cell, features, rewards, eval_true=0):
    choice, gr = pl.pallas_call(
        _body,
        grid=(NSTEPS,),
        in_specs=[pl.BlockSpec(memory_space=pl.ANY)],
        out_specs=[
            pl.BlockSpec((TILE, 1), lambda i: (i, 0)),
            pl.BlockSpec((TILE, 1), lambda i: (i, 0)),
        ],
        out_shape=[
            jax.ShapeDtypeStruct((B, 1), jnp.int32),
            jax.ShapeDtypeStruct((B, 1), jnp.float32),
        ],
        scratch_shapes=[
            pltpu.VMEM((2, TILE, F), jnp.float32),
            pltpu.SemaphoreType.DMA((2,)),
        ],
        compiler_params=pltpu.CompilerParams(
            dimension_semantics=("arbitrary",),
        ),
    )(rewards)
    Q = _sc_zeros(jnp.zeros((ZCH, F), dtype=jnp.float32))
    return (Q, choice, gr)

# --- scband reference (transcript-rebuilt; emitter-appended) ---
"""Pipeline reference for scband-reactive-speaker-32693291057375 (READ-ONLY COPY).

The authoritative reference and input builder live on the scoring server;
editing this copy changes nothing except your own understanding.
"""

import jax, jax.numpy as jnp
import numpy as np

B, F, D = 4096, 1000, 128

def _multinomial(key, weights):
    # torch.multinomial(weights, 1): sample one index per row proportional to weights
    logits = jnp.where(weights > 0.0, jnp.log(jnp.maximum(weights, 1e-30)), -jnp.inf)
    return jax.random.categorical(key, logits, axis=-1)

def setup_inputs(seed: int = 0) -> dict:
    key = jax.random.key(seed)
    k1, k2, k3, k4 = jax.random.split(key, 4)
    return {
        "agent_embedding": jax.random.normal(k1, (B, D), dtype=jnp.float32),
        "agent_cell": jax.random.normal(k2, (B, D), dtype=jnp.float32),
        "features": jax.random.normal(k3, (B, F), dtype=jnp.float32),
        "rewards": jax.random.normal(k4, (B, F), dtype=jnp.float32),
        "eval_true": 0,
    }

def reference(agent_embedding, agent_cell, features, rewards, eval_true=0):
    # Faithful translation of ReactiveSpeaker.init(batch_sz) followed by one step(...)
    b, f = rewards.shape
    kinit, kstep = jax.random.split(jax.random.key(42))
    # init: seen_attributes = ones, then _update_choices(mask=None)
    seen = jnp.ones((b, f), dtype=jnp.float32)
    choice = _multinomial(kinit, seen)                      # curr_choice, [B]
    seen = seen.at[jnp.arange(b), choice].set(0.0)
    exhausted = (seen.sum(axis=1) == 0.0)
    seen = jnp.where(exhausted[:, None], jnp.ones((b, f), dtype=jnp.float32), seen)
    # step:
    attrs = choice[:, None]                                 # [B, 1]
    guess_reward = jnp.take_along_axis(rewards, attrs, axis=1)  # rewards.gather(1, attrs)
    mask = (guess_reward == -1.0)[:, 0]                     # neg_rewards
    # _update_choices(neg_rewards): masked re-sample (no-op where mask is False)
    new_choice = _multinomial(kstep, seen)
    choice = jnp.where(mask, new_choice, choice)
    seen = seen.at[jnp.arange(b), choice].set(0.0)
    exhausted = (seen.sum(axis=1) == 0.0)
    seen = jnp.where(exhausted[:, None], jnp.ones((b, f), dtype=jnp.float32), seen)
    Q = jnp.zeros_like(seen)
    return (Q, choice[:, None], guess_reward)

if __name__ == "__main__":
    import jax
    _d = setup_inputs()
    print(jax.jit(kernel)(*tuple(_d.values())))

</pallas_src>

<mosaic_0001>
#map = affine_map<(d0, d1) -> (0, 0)>
module attributes {stable_mosaic.version = 14 : i64} {
  func.func @_sc_zeros(%arg0: i32, %arg1: i32, %arg2: memref<8x1000xf32, #tpu.memory_space<hbm>>, %arg3: memref<4096x1000xf32, #tpu.memory_space<hbm>>, %arg4: memref<8x1000xf32, #tpu.memory_space<vmem>>) attributes {dimension_semantics = [#tpu.dimension_semantics<core_parallel>, #tpu.dimension_semantics<subcore_parallel>], iteration_bounds = array<i64: 2, 16>, scalar_prefetch = 0 : i64, scratch_operands = 1 : i64, tpu.core_type = #tpu.core_type<sc_vector_subcore>, window_params = [{transform_indices = #map}, {transform_indices = #map}]} {
    %mul3A = arith.constant 2 : i32
    %mul3A_0 = arith.muli %arg1, %mul3A : i32
    %add3A = arith.addi %mul3A_0, %arg0 : i32
    %mul3A_1 = arith.constant 128 : i32
    %mul3A_2 = arith.muli %add3A, %mul3A_1 : i32
    "tpu.region"() ({
      %run_scoped3A = tpu.sem_alloc : memref<!tpu.dma_semaphore, #tpu.memory_space<semaphore_mem>>
      tpu.enqueue_dma source(%arg2 : memref<8x1000xf32, #tpu.memory_space<hbm>>) target(%arg4 : memref<8x1000xf32, #tpu.memory_space<vmem>>) target_semaphore(%run_scoped3A : memref<!tpu.dma_semaphore, #tpu.memory_space<semaphore_mem>>)
      tpu.wait_dma2 semaphore(%run_scoped3A : memref<!tpu.dma_semaphore, #tpu.memory_space<semaphore_mem>>) src(%arg2 : memref<8x1000xf32, #tpu.memory_space<hbm>>) dst(%arg4 : memref<8x1000xf32, #tpu.memory_space<vmem>>)
      tpu.yield
    }) : () -> ()
    %add3A_3 = arith.constant 0 : i32
    %add3A_4 = arith.addi %mul3A_2, %add3A_3 : i32
    "tpu.region"() ({
      %run_scoped3A = tpu.sem_alloc : memref<!tpu.dma_semaphore, #tpu.memory_space<semaphore_mem>>
      %dma_start3A = arith.constant 0 : i32
      %dma_start3A_35 = tpu.memref_slice %arg3[%add3A_4, %dma_start3A] : memref<4096x1000xf32, #tpu.memory_space<hbm>> -> memref<8x1000xf32, #tpu.memory_space<hbm>>
      %dma_start3A_36 = arith.constant 0 : i32
      %dma_start3A_37 = tpu.memref_slice %arg3[%add3A_4, %dma_start3A_36] : memref<4096x1000xf32, #tpu.memory_space<hbm>> -> memref<8x1000xf32, #tpu.memory_space<hbm>>
      tpu.enqueue_dma source(%arg4 : memref<8x1000xf32, #tpu.memory_space<vmem>>) target(%dma_start3A_37 : memref<8x1000xf32, #tpu.memory_space<hbm>>) target_semaphore(%run_scoped3A : memref<!tpu.dma_semaphore, #tpu.memory_space<semaphore_mem>>)
      %dma_wait3A = arith.constant 0 : i32
      %dma_wait3A_38 = tpu.memref_slice %arg3[%add3A_4, %dma_wait3A] : memref<4096x1000xf32, #tpu.memory_space<hbm>> -> memref<8x1000xf32, #tpu.memory_space<hbm>>
      %dma_wait3A_39 = arith.constant 0 : i32
      %dma_wait3A_40 = tpu.memref_slice %arg3[%add3A_4, %dma_wait3A_39] : memref<4096x1000xf32, #tpu.memory_space<hbm>> -> memref<8x1000xf32, #tpu.memory_space<hbm>>
      tpu.wait_dma2 semaphore(%run_scoped3A : memref<!tpu.dma_semaphore, #tpu.memory_space<semaphore_mem>>) src(%arg4 : memref<8x1000xf32, #tpu.memory_space<vmem>>) dst(%dma_wait3A_40 : memref<8x1000xf32, #tpu.memory_space<hbm>>)
      tpu.yield
    }) : () -> ()
    %add3A_5 = arith.constant 8 : i32
    %add3A_6 = arith.addi %mul3A_2, %add3A_5 : i32
    "tpu.region"() ({
      %run_scoped3A = tpu.sem_alloc : memref<!tpu.dma_semaphore, #tpu.memory_space<semaphore_mem>>
      %dma_start3A = arith.constant 0 : i32
      %dma_start3A_35 = tpu.memref_slice %arg3[%add3A_6, %dma_start3A] : memref<4096x1000xf32, #tpu.memory_space<hbm>> -> memref<8x1000xf32, #tpu.memory_space<hbm>>
      %dma_start3A_36 = arith.constant 0 : i32
      %dma_start3A_37 = tpu.memref_slice %arg3[%add3A_6, %dma_start3A_36] : memref<4096x1000xf32, #tpu.memory_space<hbm>> -> memref<8x1000xf32, #tpu.memory_space<hbm>>
      tpu.enqueue_dma source(%arg4 : memref<8x1000xf32, #tpu.memory_space<vmem>>) target(%dma_start3A_37 : memref<8x1000xf32, #tpu.memory_space<hbm>>) target_semaphore(%run_scoped3A : memref<!tpu.dma_semaphore, #tpu.memory_space<semaphore_mem>>)
      %dma_wait3A = arith.constant 0 : i32
      %dma_wait3A_38 = tpu.memref_slice %arg3[%add3A_6, %dma_wait3A] : memref<4096x1000xf32, #tpu.memory_space<hbm>> -> memref<8x1000xf32, #tpu.memory_space<hbm>>
      %dma_wait3A_39 = arith.constant 0 : i32
      %dma_wait3A_40 = tpu.memref_slice %arg3[%add3A_6, %dma_wait3A_39] : memref<4096x1000xf32, #tpu.memory_space<hbm>> -> memref<8x1000xf32, #tpu.memory_space<hbm>>
      tpu.wait_dma2 semaphore(%run_scoped3A : memref<!tpu.dma_semaphore, #tpu.memory_space<semaphore_mem>>) src(%arg4 : memref<8x1000xf32, #tpu.memory_space<vmem>>) dst(%dma_wait3A_40 : memref<8x1000xf32, #tpu.memory_space<hbm>>)
      tpu.yield
    }) : () -> ()
    %add3A_7 = arith.constant 16 : i32
    %add3A_8 = arith.addi %mul3A_2, %add3A_7 : i32
    "tpu.region"() ({
      %run_scoped3A = tpu.sem_alloc : memref<!tpu.dma_semaphore, #tpu.memory_space<semaphore_mem>>
      %dma_start3A = arith.constant 0 : i32
      %dma_start3A_35 = tpu.memref_slice %arg3[%add3A_8, %dma_start3A] : memref<4096x1000xf32, #tpu.memory_space<hbm>> -> memref<8x1000xf32, #tpu.memory_space<hbm>>
      %dma_start3A_36 = arith.constant 0 : i32
      %dma_start3A_37 = tpu.memref_slice %arg3[%add3A_8, %dma_start3A_36] : memref<4096x1000xf32, #tpu.memory_space<hbm>> -> memref<8x1000xf32, #tpu.memory_space<hbm>>
      tpu.enqueue_dma source(%arg4 : memref<8x1000xf32, #tpu.memory_space<vmem>>) target(%dma_start3A_37 : memref<8x1000xf32, #tpu.memory_space<hbm>>) target_semaphore(%run_scoped3A : memref<!tpu.dma_semaphore, #tpu.memory_space<semaphore_mem>>)
      %dma_wait3A = arith.constant 0 : i32
      %dma_wait3A_38 = tpu.memref_slice %arg3[%add3A_8, %dma_wait3A] : memref<4096x1000xf32, #tpu.memory_space<hbm>> -> memref<8x1000xf32, #tpu.memory_space<hbm>>
      %dma_wait3A_39 = arith.constant 0 : i32
      %dma_wait3A_40 = tpu.memref_slice %arg3[%add3A_8, %dma_wait3A_39] : memref<4096x1000xf32, #tpu.memory_space<hbm>> -> memref<8x1000xf32, #tpu.memory_space<hbm>>
      tpu.wait_dma2 semaphore(%run_scoped3A : memref<!tpu.dma_semaphore, #tpu.memory_space<semaphore_mem>>) src(%arg4 : memref<8x1000xf32, #tpu.memory_space<vmem>>) dst(%dma_wait3A_40 : memref<8x1000xf32, #tpu.memory_space<hbm>>)
      tpu.yield
    }) : () -> ()
    %add3A_9 = arith.constant 24 : i32
    %add3A_10 = arith.addi %mul3A_2, %add3A_9 : i32
    "tpu.region"() ({
      %run_scoped3A = tpu.sem_alloc : memref<!tpu.dma_semaphore, #tpu.memory_space<semaphore_mem>>
      %dma_start3A = arith.constant 0 : i32
      %dma_start3A_35 = tpu.memref_slice %arg3[%add3A_10, %dma_start3A] : memref<4096x1000xf32, #tpu.memory_space<hbm>> -> memref<8x1000xf32, #tpu.memory_space<hbm>>
      %dma_start3A_36 = arith.constant 0 : i32
      %dma_start3A_37 = tpu.memref_slice %arg3[%add3A_10, %dma_start3A_36] : memref<4096x1000xf32, #tpu.memory_space<hbm>> -> memref<8x1000xf32, #tpu.memory_space<hbm>>
      tpu.enqueue_dma source(%arg4 : memref<8x1000xf32, #tpu.memory_space<vmem>>) target(%dma_start3A_37 : memref<8x1000xf32, #tpu.memory_space<hbm>>) target_semaphore(%run_scoped3A : memref<!tpu.dma_semaphore, #tpu.memory_space<semaphore_mem>>)
      %dma_wait3A = arith.constant 0 : i32
      %dma_wait3A_38 = tpu.memref_slice %arg3[%add3A_10, %dma_wait3A] : memref<4096x1000xf32, #tpu.memory_space<hbm>> -> memref<8x1000xf32, #tpu.memory_space<hbm>>
      %dma_wait3A_39 = arith.constant 0 : i32
      %dma_wait3A_40 = tpu.memref_slice %arg3[%add3A_10, %dma_wait3A_39] : memref<4096x1000xf32, #tpu.memory_space<hbm>> -> memref<8x1000xf32, #tpu.memory_space<hbm>>
      tpu.wait_dma2 semaphore(%run_scoped3A : memref<!tpu.dma_semaphore, #tpu.memory_space<semaphore_mem>>) src(%arg4 : memref<8x1000xf32, #tpu.memory_space<vmem>>) dst(%dma_wait3A_40 : memref<8x1000xf32, #tpu.memory_space<hbm>>)
      tpu.yield
    }) : () -> ()
    %add3A_11 = arith.constant 32 : i32
    %add3A_12 = arith.addi %mul3A_2, %add3A_11 : i32
    "tpu.region"() ({
      %run_scoped3A = tpu.sem_alloc : memref<!tpu.dma_semaphore, #tpu.memory_space<semaphore_mem>>
      %dma_start3A = arith.constant 0 : i32
      %dma_start3A_35 = tpu.memref_slice %arg3[%add3A_12, %dma_start3A] : memref<4096x1000xf32, #tpu.memory_space<hbm>> -> memref<8x1000xf32, #tpu.memory_space<hbm>>
      %dma_start3A_36 = arith.constant 0 : i32
      %dma_start3A_37 = tpu.memref_slice %arg3[%add3A_12, %dma_start3A_36] : memref<4096x1000xf32, #tpu.memory_space<hbm>> -> memref<8x1000xf32, #tpu.memory_space<hbm>>
      tpu.enqueue_dma source(%arg4 : memref<8x1000xf32, #tpu.memory_space<vmem>>) target(%dma_start3A_37 : memref<8x1000xf32, #tpu.memory_space<hbm>>) target_semaphore(%run_scoped3A : memref<!tpu.dma_semaphore, #tpu.memory_space<semaphore_mem>>)
      %dma_wait3A = arith.constant 0 : i32
      %dma_wait3A_38 = tpu.memref_slice %arg3[%add3A_12, %dma_wait3A] : memref<4096x1000xf32, #tpu.memory_space<hbm>> -> memref<8x1000xf32, #tpu.memory_space<hbm>>
      %dma_wait3A_39 = arith.constant 0 : i32
      %dma_wait3A_40 = tpu.memref_slice %arg3[%add3A_12, %dma_wait3A_39] : memref<4096x1000xf32, #tpu.memory_space<hbm>> -> memref<8x1000xf32, #tpu.memory_space<hbm>>
      tpu.wait_dma2 semaphore(%run_scoped3A : memref<!tpu.dma_semaphore, #tpu.memory_space<semaphore_mem>>) src(%arg4 : memref<8x1000xf32, #tpu.memory_space<vmem>>) dst(%dma_wait3A_40 : memref<8x1000xf32, #tpu.memory_space<hbm>>)
      tpu.yield
    }) : () -> ()
    %add3A_13 = arith.constant 40 : i32
    %add3A_14 = arith.addi %mul3A_2, %add3A_13 : i32
    "tpu.region"() ({
      %run_scoped3A = tpu.sem_alloc : memref<!tpu.dma_semaphore, #tpu.memory_space<semaphore_mem>>
      %dma_start3A = arith.constant 0 : i32
      %dma_start3A_35 = tpu.memref_slice %arg3[%add3A_14, %dma_start3A] : memref<4096x1000xf32, #tpu.memory_space<hbm>> -> memref<8x1000xf32, #tpu.memory_space<hbm>>
      %dma_start3A_36 = arith.constant 0 : i32
      %dma_start3A_37 = tpu.memref_slice %arg3[%add3A_14, %dma_start3A_36] : memref<4096x1000xf32, #tpu.memory_space<hbm>> -> memref<8x1000xf32, #tpu.memory_space<hbm>>
      tpu.enqueue_dma source(%arg4 : memref<8x1000xf32, #tpu.memory_space<vmem>>) target(%dma_start3A_37 : memref<8x1000xf32, #tpu.memory_space<hbm>>) target_semaphore(%run_scoped3A : memref<!tpu.dma_semaphore, #tpu.memory_space<semaphore_mem>>)
      %dma_wait3A = arith.constant 0 : i32
      %dma_wait3A_38 = tpu.memref_slice %arg3[%add3A_14, %dma_wait3A] : memref<4096x1000xf32, #tpu.memory_space<hbm>> -> memref<8x1000xf32, #tpu.memory_space<hbm>>
      %dma_wait3A_39 = arith.constant 0 : i32
      %dma_wait3A_40 = tpu.memref_slice %arg3[%add3A_14, %dma_wait3A_39] : memref<4096x1000xf32, #tpu.memory_space<hbm>> -> memref<8x1000xf32, #tpu.memory_space<hbm>>
      tpu.wait_dma2 semaphore(%run_scoped3A : memref<!tpu.dma_semaphore, #tpu.memory_space<semaphore_mem>>) src(%arg4 : memref<8x1000xf32, #tpu.memory_space<vmem>>) dst(%dma_wait3A_40 : memref<8x1000xf32, #tpu.memory_space<hbm>>)
      tpu.yield
    }) : () -> ()
    %add3A_15 = arith.constant 48 : i32
    %add3A_16 = arith.addi %mul3A_2, %add3A_15 : i32
    "tpu.region"() ({
      %run_scoped3A = tpu.sem_alloc : memref<!tpu.dma_semaphore, #tpu.memory_space<semaphore_mem>>
      %dma_start3A = arith.constant 0 : i32
      %dma_start3A_35 = tpu.memref_slice %arg3[%add3A_16, %dma_start3A] : memref<4096x1000xf32, #tpu.memory_space<hbm>> -> memref<8x1000xf32, #tpu.memory_space<hbm>>
      %dma_start3A_36 = arith.constant 0 : i32
      %dma_start3A_37 = tpu.memref_slice %arg3[%add3A_16, %dma_start3A_36] : memref<4096x1000xf32, #tpu.memory_space<hbm>> -> memref<8x1000xf32, #tpu.memory_space<hbm>>
      tpu.enqueue_dma source(%arg4 : memref<8x1000xf32, #tpu.memory_space<vmem>>) target(%dma_start3A_37 : memref<8x1000xf32, #tpu.memory_space<hbm>>) target_semaphore(%run_scoped3A : memref<!tpu.dma_semaphore, #tpu.memory_space<semaphore_mem>>)
      %dma_wait3A = arith.constant 0 : i32
      %dma_wait3A_38 = tpu.memref_slice %arg3[%add3A_16, %dma_wait3A] : memref<4096x1000xf32, #tpu.memory_space<hbm>> -> memref<8x1000xf32, #tpu.memory_space<hbm>>
      %dma_wait3A_39 = arith.constant 0 : i32
      %dma_wait3A_40 = tpu.memref_slice %arg3[%add3A_16, %dma_wait3A_39] : memref<4096x1000xf32, #tpu.memory_space<hbm>> -> memref<8x1000xf32, #tpu.memory_space<hbm>>
      tpu.wait_dma2 semaphore(%run_scoped3A : memref<!tpu.dma_semaphore, #tpu.memory_space<semaphore_mem>>) src(%arg4 : memref<8x1000xf32, #tpu.memory_space<vmem>>) dst(%dma_wait3A_40 : memref<8x1000xf32, #tpu.memory_space<hbm>>)
      tpu.yield
    }) : () -> ()
    %add3A_17 = arith.constant 56 : i32
    %add3A_18 = arith.addi %mul3A_2, %add3A_17 : i32
    "tpu.region"() ({
      %run_scoped3A = tpu.sem_alloc : memref<!tpu.dma_semaphore, #tpu.memory_space<semaphore_mem>>
      %dma_start3A = arith.constant 0 : i32
      %dma_start3A_35 = tpu.memref_slice %arg3[%add3A_18, %dma_start3A] : memref<4096x1000xf32, #tpu.memory_space<hbm>> -> memref<8x1000xf32, #tpu.memory_space<hbm>>
      %dma_start3A_36 = arith.constant 0 : i32
      %dma_start3A_37 = tpu.memref_slice %arg3[%add3A_18, %dma_start3A_36] : memref<4096x1000xf32, #tpu.memory_space<hbm>> -> memref<8x1000xf32, #tpu.memory_space<hbm>>
      tpu.enqueue_dma source(%arg4 : memref<8x1000xf32, #tpu.memory_space<vmem>>) target(%dma_start3A_37 : memref<8x1000xf32, #tpu.memory_space<hbm>>) target_semaphore(%run_scoped3A : memref<!tpu.dma_semaphore, #tpu.memory_space<semaphore_mem>>)
      %dma_wait3A = arith.constant 0 : i32
      %dma_wait3A_38 = tpu.memref_slice %arg3[%add3A_18, %dma_wait3A] : memref<4096x1000xf32, #tpu.memory_space<hbm>> -> memref<8x1000xf32, #tpu.memory_space<hbm>>
      %dma_wait3A_39 = arith.constant 0 : i32
      %dma_wait3A_40 = tpu.memref_slice %arg3[%add3A_18, %dma_wait3A_39] : memref<4096x1000xf32, #tpu.memory_space<hbm>> -> memref<8x1000xf32, #tpu.memory_space<hbm>>
      tpu.wait_dma2 semaphore(%run_scoped3A : memref<!tpu.dma_semaphore, #tpu.memory_space<semaphore_mem>>) src(%arg4 : memref<8x1000xf32, #tpu.memory_space<vmem>>) dst(%dma_wait3A_40 : memref<8x1000xf32, #tpu.memory_space<hbm>>)
      tpu.yield
    }) : () -> ()
    %add3A_19 = arith.constant 64 : i32
    %add3A_20 = arith.addi %mul3A_2, %add3A_19 : i32
    "tpu.region"() ({
      %run_scoped3A = tpu.sem_alloc : memref<!tpu.dma_semaphore, #tpu.memory_space<semaphore_mem>>
      %dma_start3A = arith.constant 0 : i32
      %dma_start3A_35 = tpu.memref_slice %arg3[%add3A_20, %dma_start3A] : memref<4096x1000xf32, #tpu.memory_space<hbm>> -> memref<8x1000xf32, #tpu.memory_space<hbm>>
      %dma_start3A_36 = arith.constant 0 : i32
      %dma_start3A_37 = tpu.memref_slice %arg3[%add3A_20, %dma_start3A_36] : memref<4096x1000xf32, #tpu.memory_space<hbm>> -> memref<8x1000xf32, #tpu.memory_space<hbm>>
      tpu.enqueue_dma source(%arg4 : memref<8x1000xf32, #tpu.memory_space<vmem>>) target(%dma_start3A_37 : memref<8x1000xf32, #tpu.memory_space<hbm>>) target_semaphore(%run_scoped3A : memref<!tpu.dma_semaphore, #tpu.memory_space<semaphore_mem>>)
      %dma_wait3A = arith.constant 0 : i32
      %dma_wait3A_38 = tpu.memref_slice %arg3[%add3A_20, %dma_wait3A] : memref<4096x1000xf32, #tpu.memory_space<hbm>> -> memref<8x1000xf32, #tpu.memory_space<hbm>>
      %dma_wait3A_39 = arith.constant 0 : i32
      %dma_wait3A_40 = tpu.memref_slice %arg3[%add3A_20, %dma_wait3A_39] : memref<4096x1000xf32, #tpu.memory_space<hbm>> -> memref<8x1000xf32, #tpu.memory_space<hbm>>
      tpu.wait_dma2 semaphore(%run_scoped3A : memref<!tpu.dma_semaphore, #tpu.memory_space<semaphore_mem>>) src(%arg4 : memref<8x1000xf32, #tpu.memory_space<vmem>>) dst(%dma_wait3A_40 : memref<8x1000xf32, #tpu.memory_space<hbm>>)
      tpu.yield
    }) : () -> ()
    %add3A_21 = arith.constant 72 : i32
    %add3A_22 = arith.addi %mul3A_2, %add3A_21 : i32
    "tpu.region"() ({
      %run_scoped3A = tpu.sem_alloc : memref<!tpu.dma_semaphore, #tpu.memory_space<semaphore_mem>>
      %dma_start3A = arith.constant 0 : i32
      %dma_start3A_35 = tpu.memref_slice %arg3[%add3A_22, %dma_start3A] : memref<4096x1000xf32, #tpu.memory_space<hbm>> -> memref<8x1000xf32, #tpu.memory_space<hbm>>
      %dma_start3A_36 = arith.constant 0 : i32
      %dma_start3A_37 = tpu.memref_slice %arg3[%add3A_22, %dma_start3A_36] : memref<4096x1000xf32, #tpu.memory_space<hbm>> -> memref<8x1000xf32, #tpu.memory_space<hbm>>
      tpu.enqueue_dma source(%arg4 : memref<8x1000xf32, #tpu.memory_space<vmem>>) target(%dma_start3A_37 : memref<8x1000xf32, #tpu.memory_space<hbm>>) target_semaphore(%run_scoped3A : memref<!tpu.dma_semaphore, #tpu.memory_space<semaphore_mem>>)
      %dma_wait3A = arith.constant 0 : i32
      %dma_wait3A_38 = tpu.memref_slice %arg3[%add3A_22, %dma_wait3A] : memref<4096x1000xf32, #tpu.memory_space<hbm>> -> memref<8x1000xf32, #tpu.memory_space<hbm>>
      %dma_wait3A_39 = arith.constant 0 : i32
      %dma_wait3A_40 = tpu.memref_slice %arg3[%add3A_22, %dma_wait3A_39] : memref<4096x1000xf32, #tpu.memory_space<hbm>> -> memref<8x1000xf32, #tpu.memory_space<hbm>>
      tpu.wait_dma2 semaphore(%run_scoped3A : memref<!tpu.dma_semaphore, #tpu.memory_space<semaphore_mem>>) src(%arg4 : memref<8x1000xf32, #tpu.memory_space<vmem>>) dst(%dma_wait3A_40 : memref<8x1000xf32, #tpu.memory_space<hbm>>)
      tpu.yield
    }) : () -> ()
    %add3A_23 = arith.constant 80 : i32
    %add3A_24 = arith.addi %mul3A_2, %add3A_23 : i32
    "tpu.region"() ({
      %run_scoped3A = tpu.sem_alloc : memref<!tpu.dma_semaphore, #tpu.memory_space<semaphore_mem>>
      %dma_start3A = arith.constant 0 : i32
      %dma_start3A_35 = tpu.memref_slice %arg3[%add3A_24, %dma_start3A] : memref<4096x1000xf32, #tpu.memory_space<hbm>> -> memref<8x1000xf32, #tpu.memory_space<hbm>>
      %dma_start3A_36 = arith.constant 0 : i32
      %dma_start3A_37 = tpu.memref_slice %arg3[%add3A_24, %dma_start3A_36] : memref<4096x1000xf32, #tpu.memory_space<hbm>> -> memref<8x1000xf32, #tpu.memory_space<hbm>>
      tpu.enqueue_dma source(%arg4 : memref<8x1000xf32, #tpu.memory_space<vmem>>) target(%dma_start3A_37 : memref<8x1000xf32, #tpu.memory_space<hbm>>) target_semaphore(%run_scoped3A : memref<!tpu.dma_semaphore, #tpu.memory_space<semaphore_mem>>)
      %dma_wait3A = arith.constant 0 : i32
      %dma_wait3A_38 = tpu.memref_slice %arg3[%add3A_24, %dma_wait3A] : memref<4096x1000xf32, #tpu.memory_space<hbm>> -> memref<8x1000xf32, #tpu.memory_space<hbm>>
      %dma_wait3A_39 = arith.constant 0 : i32
      %dma_wait3A_40 = tpu.memref_slice %arg3[%add3A_24, %dma_wait3A_39] : memref<4096x1000xf32, #tpu.memory_space<hbm>> -> memref<8x1000xf32, #tpu.memory_space<hbm>>
      tpu.wait_dma2 semaphore(%run_scoped3A : memref<!tpu.dma_semaphore, #tpu.memory_space<semaphore_mem>>) src(%arg4 : memref<8x1000xf32, #tpu.memory_space<vmem>>) dst(%dma_wait3A_40 : memref<8x1000xf32, #tpu.memory_space<hbm>>)
      tpu.yield
    }) : () -> ()
    %add3A_25 = arith.constant 88 : i32
    %add3A_26 = arith.addi %mul3A_2, %add3A_25 : i32
    "tpu.region"() ({
      %run_scoped3A = tpu.sem_alloc : memref<!tpu.dma_semaphore, #tpu.memory_space<semaphore_mem>>
      %dma_start3A = arith.constant 0 : i32
      %dma_start3A_35 = tpu.memref_slice %arg3[%add3A_26, %dma_start3A] : memref<4096x1000xf32, #tpu.memory_space<hbm>> -> memref<8x1000xf32, #tpu.memory_space<hbm>>
      %dma_start3A_36 = arith.constant 0 : i32
      %dma_start3A_37 = tpu.memref_slice %arg3[%add3A_26, %dma_start3A_36] : memref<4096x1000xf32, #tpu.memory_space<hbm>> -> memref<8x1000xf32, #tpu.memory_space<hbm>>
      tpu.enqueue_dma source(%arg4 : memref<8x1000xf32, #tpu.memory_space<vmem>>) target(%dma_start3A_37 : memref<8x1000xf32, #tpu.memory_space<hbm>>) target_semaphore(%run_scoped3A : memref<!tpu.dma_semaphore, #tpu.memory_space<semaphore_mem>>)
      %dma_wait3A = arith.constant 0 : i32
      %dma_wait3A_38 = tpu.memref_slice %arg3[%add3A_26, %dma_wait3A] : memref<4096x1000xf32, #tpu.memory_space<hbm>> -> memref<8x1000xf32, #tpu.memory_space<hbm>>
      %dma_wait3A_39 = arith.constant 0 : i32
      %dma_wait3A_40 = tpu.memref_slice %arg3[%add3A_26, %dma_wait3A_39] : memref<4096x1000xf32, #tpu.memory_space<hbm>> -> memref<8x1000xf32, #tpu.memory_space<hbm>>
      tpu.wait_dma2 semaphore(%run_scoped3A : memref<!tpu.dma_semaphore, #tpu.memory_space<semaphore_mem>>) src(%arg4 : memref<8x1000xf32, #tpu.memory_space<vmem>>) dst(%dma_wait3A_40 : memref<8x1000xf32, #tpu.memory_space<hbm>>)
      tpu.yield
    }) : () -> ()
    %add3A_27 = arith.constant 96 : i32
    %add3A_28 = arith.addi %mul3A_2, %add3A_27 : i32
    "tpu.region"() ({
      %run_scoped3A = tpu.sem_alloc : memref<!tpu.dma_semaphore, #tpu.memory_space<semaphore_mem>>
      %dma_start3A = arith.constant 0 : i32
      %dma_start3A_35 = tpu.memref_slice %arg3[%add3A_28, %dma_start3A] : memref<4096x1000xf32, #tpu.memory_space<hbm>> -> memref<8x1000xf32, #tpu.memory_space<hbm>>
      %dma_start3A_36 = arith.constant 0 : i32
      %dma_start3A_37 = tpu.memref_slice %arg3[%add3A_28, %dma_start3A_36] : memref<4096x1000xf32, #tpu.memory_space<hbm>> -> memref<8x1000xf32, #tpu.memory_space<hbm>>
      tpu.enqueue_dma source(%arg4 : memref<8x1000xf32, #tpu.memory_space<vmem>>) target(%dma_start3A_37 : memref<8x1000xf32, #tpu.memory_space<hbm>>) target_semaphore(%run_scoped3A : memref<!tpu.dma_semaphore, #tpu.memory_space<semaphore_mem>>)
      %dma_wait3A = arith.constant 0 : i32
      %dma_wait3A_38 = tpu.memref_slice %arg3[%add3A_28, %dma_wait3A] : memref<4096x1000xf32, #tpu.memory_space<hbm>> -> memref<8x1000xf32, #tpu.memory_space<hbm>>
      %dma_wait3A_39 = arith.constant 0 : i32
      %dma_wait3A_40 = tpu.memref_slice %arg3[%add3A_28, %dma_wait3A_39] : memref<4096x1000xf32, #tpu.memory_space<hbm>> -> memref<8x1000xf32, #tpu.memory_space<hbm>>
      tpu.wait_dma2 semaphore(%run_scoped3A : memref<!tpu.dma_semaphore, #tpu.memory_space<semaphore_mem>>) src(%arg4 : memref<8x1000xf32, #tpu.memory_space<vmem>>) dst(%dma_wait3A_40 : memref<8x1000xf32, #tpu.memory_space<hbm>>)
      tpu.yield
    }) : () -> ()
    %add3A_29 = arith.constant 104 : i32
    %add3A_30 = arith.addi %mul3A_2, %add3A_29 : i32
    "tpu.region"() ({
      %run_scoped3A = tpu.sem_alloc : memref<!tpu.dma_semaphore, #tpu.memory_space<semaphore_mem>>
      %dma_start3A = arith.constant 0 : i32
      %dma_start3A_35 = tpu.memref_slice %arg3[%add3A_30, %dma_start3A] : memref<4096x1000xf32, #tpu.memory_space<hbm>> -> memref<8x1000xf32, #tpu.memory_space<hbm>>
      %dma_start3A_36 = arith.constant 0 : i32
      %dma_start3A_37 = tpu.memref_slice %arg3[%add3A_30, %dma_start3A_36] : memref<4096x1000xf32, #tpu.memory_space<hbm>> -> memref<8x1000xf32, #tpu.memory_space<hbm>>
      tpu.enqueue_dma source(%arg4 : memref<8x1000xf32, #tpu.memory_space<vmem>>) target(%dma_start3A_37 : memref<8x1000xf32, #tpu.memory_space<hbm>>) target_semaphore(%run_scoped3A : memref<!tpu.dma_semaphore, #tpu.memory_space<semaphore_mem>>)
      %dma_wait3A = arith.constant 0 : i32
      %dma_wait3A_38 = tpu.memref_slice %arg3[%add3A_30, %dma_wait3A] : memref<4096x1000xf32, #tpu.memory_space<hbm>> -> memref<8x1000xf32, #tpu.memory_space<hbm>>
      %dma_wait3A_39 = arith.constant 0 : i32
      %dma_wait3A_40 = tpu.memref_slice %arg3[%add3A_30, %dma_wait3A_39] : memref<4096x1000xf32, #tpu.memory_space<hbm>> -> memref<8x1000xf32, #tpu.memory_space<hbm>>
      tpu.wait_dma2 semaphore(%run_scoped3A : memref<!tpu.dma_semaphore, #tpu.memory_space<semaphore_mem>>) src(%arg4 : memref<8x1000xf32, #tpu.memory_space<vmem>>) dst(%dma_wait3A_40 : memref<8x1000xf32, #tpu.memory_space<hbm>>)
      tpu.yield
    }) : () -> ()
    %add3A_31 = arith.constant 112 : i32
    %add3A_32 = arith.addi %mul3A_2, %add3A_31 : i32
    "tpu.region"() ({
      %run_scoped3A = tpu.sem_alloc : memref<!tpu.dma_semaphore, #tpu.memory_space<semaphore_mem>>
      %dma_start3A = arith.constant 0 : i32
      %dma_start3A_35 = tpu.memref_slice %arg3[%add3A_32, %dma_start3A] : memref<4096x1000xf32, #tpu.memory_space<hbm>> -> memref<8x1000xf32, #tpu.memory_space<hbm>>
      %dma_start3A_36 = arith.constant 0 : i32
      %dma_start3A_37 = tpu.memref_slice %arg3[%add3A_32, %dma_start3A_36] : memref<4096x1000xf32, #tpu.memory_space<hbm>> -> memref<8x1000xf32, #tpu.memory_space<hbm>>
      tpu.enqueue_dma source(%arg4 : memref<8x1000xf32, #tpu.memory_space<vmem>>) target(%dma_start3A_37 : memref<8x1000xf32, #tpu.memory_space<hbm>>) target_semaphore(%run_scoped3A : memref<!tpu.dma_semaphore, #tpu.memory_space<semaphore_mem>>)
      %dma_wait3A = arith.constant 0 : i32
      %dma_wait3A_38 = tpu.memref_slice %arg3[%add3A_32, %dma_wait3A] : memref<4096x1000xf32, #tpu.memory_space<hbm>> -> memref<8x1000xf32, #tpu.memory_space<hbm>>
      %dma_wait3A_39 = arith.constant 0 : i32
      %dma_wait3A_40 = tpu.memref_slice %arg3[%add3A_32, %dma_wait3A_39] : memref<4096x1000xf32, #tpu.memory_space<hbm>> -> memref<8x1000xf32, #tpu.memory_space<hbm>>
      tpu.wait_dma2 semaphore(%run_scoped3A : memref<!tpu.dma_semaphore, #tpu.memory_space<semaphore_mem>>) src(%arg4 : memref<8x1000xf32, #tpu.memory_space<vmem>>) dst(%dma_wait3A_40 : memref<8x1000xf32, #tpu.memory_space<hbm>>)
      tpu.yield
    }) : () -> ()
    %add3A_33 = arith.constant 120 : i32
    %add3A_34 = arith.addi %mul3A_2, %add3A_33 : i32
    "tpu.region"() ({
      %run_scoped3A = tpu.sem_alloc : memref<!tpu.dma_semaphore, #tpu.memory_space<semaphore_mem>>
      %dma_start3A = arith.constant 0 : i32
      %dma_start3A_35 = tpu.memref_slice %arg3[%add3A_34, %dma_start3A] : memref<4096x1000xf32, #tpu.memory_space<hbm>> -> memref<8x1000xf32, #tpu.memory_space<hbm>>
      %dma_start3A_36 = arith.constant 0 : i32
      %dma_start3A_37 = tpu.memref_slice %arg3[%add3A_34, %dma_start3A_36] : memref<4096x1000xf32, #tpu.memory_space<hbm>> -> memref<8x1000xf32, #tpu.memory_space<hbm>>
      tpu.enqueue_dma source(%arg4 : memref<8x1000xf32, #tpu.memory_space<vmem>>) target(%dma_start3A_37 : memref<8x1000xf32, #tpu.memory_space<hbm>>) target_semaphore(%run_scoped3A : memref<!tpu.dma_semaphore, #tpu.memory_space<semaphore_mem>>)
      %dma_wait3A = arith.constant 0 : i32
      %dma_wait3A_38 = tpu.memref_slice %arg3[%add3A_34, %dma_wait3A] : memref<4096x1000xf32, #tpu.memory_space<hbm>> -> memref<8x1000xf32, #tpu.memory_space<hbm>>
      %dma_wait3A_39 = arith.constant 0 : i32
      %dma_wait3A_40 = tpu.memref_slice %arg3[%add3A_34, %dma_wait3A_39] : memref<4096x1000xf32, #tpu.memory_space<hbm>> -> memref<8x1000xf32, #tpu.memory_space<hbm>>
      tpu.wait_dma2 semaphore(%run_scoped3A : memref<!tpu.dma_semaphore, #tpu.memory_space<semaphore_mem>>) src(%arg4 : memref<8x1000xf32, #tpu.memory_space<vmem>>) dst(%dma_wait3A_40 : memref<8x1000xf32, #tpu.memory_space<hbm>>)
      tpu.yield
    }) : () -> ()
    return
  }
}

module attributes {stable_mosaic.version = 14 : i64} {
  func.func @_body(%arg0: i32, %arg1: memref<4096x1000xf32, #tpu.memory_space<any>>, %arg2: memref<512x1xi32, #tpu.memory_space<vmem>>, %arg3: memref<512x1xf32, #tpu.memory_space<vmem>>, %arg4: memref<2x512x1000xf32, #tpu.memory_space<vmem>>, %arg5: memref<2x!tpu.dma_semaphore, #tpu.memory_space<semaphore_mem>>) attributes {dimension_semantics = [#tpu.dimension_semantics<arbitrary>], iteration_bounds = array<i64: 8>, scalar_prefetch = 0 : i64, scratch_operands = 2 : i64, tpu.core_type = #tpu.core_type<tc>, window_params = [{}, {transform_indices = @transform_1, window_bounds = array<i64: 512, 1>}, {transform_indices = @transform_2, window_bounds = array<i64: 512, 1>}]} {
    %rem3A = arith.constant 2 : i32
    %rem3A_0 = arith.remsi %arg0, %rem3A : i32
    %add3A = arith.constant 1 : i32
    %add3A_1 = arith.addi %arg0, %add3A : i32
    %rem3A_2 = arith.constant 2 : i32
    %rem3A_3 = arith.remsi %add3A_1, %rem3A_2 : i32
    %eq3A = arith.constant 0 : i32
    %eq3A_4 = arith.cmpi eq, %arg0, %eq3A : i32
    %convert_element_type3A = arith.extui %eq3A_4 : i1 to i32
    %cond3A = arith.constant 0 : i32
    %cond3A_5 = arith.cmpi ne, %convert_element_type3A, %cond3A : i32
    scf.if %cond3A_5 {
      %dma_start3A = arith.constant 0 : i32
      %dma_start3A_302 = arith.constant 0 : i32
      %dma_start3A_303 = tpu.memref_slice %arg5[%dma_start3A_302] : memref<2x!tpu.dma_semaphore, #tpu.memory_space<semaphore_mem>> -> memref<1x!tpu.dma_semaphore, #tpu.memory_space<semaphore_mem>>
      %dma_start3A_304 = tpu.memref_squeeze %dma_start3A_303 : memref<1x!tpu.dma_semaphore, #tpu.memory_space<semaphore_mem>> -> memref<!tpu.dma_semaphore, #tpu.memory_space<semaphore_mem>>
      %dma_start3A_305 = arith.constant 0 : i32
      %dma_start3A_306 = arith.constant 0 : i32
      %dma_start3A_307 = tpu.memref_slice %arg4[%dma_start3A, %dma_start3A_305, %dma_start3A_306] : memref<2x512x1000xf32, #tpu.memory_space<vmem>> -> memref<1x512x1000xf32, #tpu.memory_space<vmem>>
      %dma_start3A_308 = tpu.memref_squeeze %dma_start3A_307 : memref<1x512x1000xf32, #tpu.memory_space<vmem>> -> memref<512x1000xf32, #tpu.memory_space<vmem>>
      %dma_start3A_309 = arith.constant 0 : i32
      %dma_start3A_310 = arith.constant 0 : i32
      %dma_start3A_311 = tpu.memref_slice %arg1[%dma_start3A_309, %dma_start3A_310] : memref<4096x1000xf32, #tpu.memory_space<any>> -> memref<512x1000xf32, #tpu.memory_space<any>>
      tpu.enqueue_dma source(%dma_start3A_311 : memref<512x1000xf32, #tpu.memory_space<any>>) target(%dma_start3A_308 : memref<512x1000xf32, #tpu.memory_space<vmem>>) target_semaphore(%dma_start3A_304 : memref<!tpu.dma_semaphore, #tpu.memory_space<semaphore_mem>>)
    } else {
    }
    %add3A_6 = arith.constant 1 : i32
    %add3A_7 = arith.addi %arg0, %add3A_6 : i32
    %lt3A = arith.constant 8 : i32
    %lt3A_8 = arith.cmpi slt, %add3A_7, %lt3A : i32
    %convert_element_type3A_9 = arith.extui %lt3A_8 : i1 to i32
    %cond3A_10 = arith.constant 0 : i32
    %cond3A_11 = arith.cmpi ne, %convert_element_type3A_9, %cond3A_10 : i32
    scf.if %cond3A_11 {
      %add3A_302 = arith.constant 1 : i32
      %add3A_303 = arith.addi %arg0, %add3A_302 : i32
      %mul3A_304 = arith.constant 512 : i32
      %mul3A_305 = arith.muli %add3A_303, %mul3A_304 : i32
      %dma_start3A = tpu.memref_slice %arg5[%rem3A_3] : memref<2x!tpu.dma_semaphore, #tpu.memory_space<semaphore_mem>> -> memref<1x!tpu.dma_semaphore, #tpu.memory_space<semaphore_mem>>
      %dma_start3A_306 = tpu.memref_squeeze %dma_start3A : memref<1x!tpu.dma_semaphore, #tpu.memory_space<semaphore_mem>> -> memref<!tpu.dma_semaphore, #tpu.memory_space<semaphore_mem>>
      %dma_start3A_307 = arith.constant 0 : i32
      %dma_start3A_308 = arith.constant 0 : i32
      %dma_start3A_309 = tpu.memref_slice %arg4[%rem3A_3, %dma_start3A_307, %dma_start3A_308] : memref<2x512x1000xf32, #tpu.memory_space<vmem>> -> memref<1x512x1000xf32, #tpu.memory_space<vmem>>
      %dma_start3A_310 = tpu.memref_squeeze %dma_start3A_309 : memref<1x512x1000xf32, #tpu.memory_space<vmem>> -> memref<512x1000xf32, #tpu.memory_space<vmem>>
      %dma_start3A_311 = arith.constant 0 : i32
      %dma_start3A_312 = tpu.memref_slice %arg1[%mul3A_305, %dma_start3A_311] : memref<4096x1000xf32, #tpu.memory_space<any>> -> memref<512x1000xf32, #tpu.memory_space<any>>
      tpu.enqueue_dma source(%dma_start3A_312 : memref<512x1000xf32, #tpu.memory_space<any>>) target(%dma_start3A_310 : memref<512x1000xf32, #tpu.memory_space<vmem>>) target_semaphore(%dma_start3A_306 : memref<!tpu.dma_semaphore, #tpu.memory_space<semaphore_mem>>)
    } else {
    }
    %iota3A = tpu.iota {dimensions = array<i32: 0>} : vector<512x1000xi32>
    %iota3A_12 = tpu.iota {dimensions = array<i32: 1>} : vector<512x1000xi32>
    %mul3A = arith.constant 512 : i32
    %mul3A_13 = arith.muli %arg0, %mul3A : i32
    %add3A_14 = vector.broadcast %mul3A_13 : i32 to vector<512x1000xi32>
    %add3A_15 = arith.addi %add3A_14, %iota3A : vector<512x1000xi32>
    %mul3A_16 = arith.constant 1000 : i32
    %mul3A_17 = vector.broadcast %mul3A_16 : i32 to vector<512x1000xi32>
    %mul3A_18 = arith.muli %add3A_15, %mul3A_17 : vector<512x1000xi32>
    %add3A_19 = arith.addi %mul3A_18, %iota3A_12 : vector<512x1000xi32>
    %broadcast_in_dim3A = arith.constant 0 : i32
    %broadcast_in_dim3A_20 = vector.broadcast %broadcast_in_dim3A : i32 to vector<512x1000xi32>
    %add3A_21 = arith.constant 1832780943 : i32
    %add3A_22 = vector.broadcast %add3A_21 : i32 to vector<512x1000xi32>
    %add3A_23 = arith.addi %broadcast_in_dim3A_20, %add3A_22 : vector<512x1000xi32>
    %add3A_24 = arith.constant 270669613 : i32
    %add3A_25 = vector.broadcast %add3A_24 : i32 to vector<512x1000xi32>
    %add3A_26 = arith.addi %add3A_19, %add3A_25 : vector<512x1000xi32>
    %add3A_27 = arith.addi %add3A_23, %add3A_26 : vector<512x1000xi32>
    %shift_left3A = arith.constant 13 : i32
    %shift_left3A_28 = vector.broadcast %shift_left3A : i32 to vector<512x1000xi32>
    %shift_left3A_29 = arith.shli %add3A_26, %shift_left3A_28 : vector<512x1000xi32>
    %shift_right_logical3A = arith.constant 19 : i32
    %shift_right_logical3A_30 = vector.broadcast %shift_right_logical3A : i32 to vector<512x1000xi32>
    %shift_right_logical3A_31 = arith.shrui %add3A_26, %shift_right_logical3A_30 : vector<512x1000xi32>
    %or3A = arith.ori %shift_left3A_29, %shift_right_logical3A_31 : vector<512x1000xi32>
    %xor3A = arith.xori %or3A, %add3A_27 : vector<512x1000xi32>
    %add3A_32 = arith.addi %add3A_27, %xor3A : vector<512x1000xi32>
    %shift_left3A_33 = arith.constant 15 : i32
    %shift_left3A_34 = vector.broadcast %shift_left3A_33 : i32 to vector<512x1000xi32>
    %shift_left3A_35 = arith.shli %xor3A, %shift_left3A_34 : vector<512x1000xi32>
    %shift_right_logical3A_36 = arith.constant 17 : i32
    %shift_right_logical3A_37 = vector.broadcast %shift_right_logical3A_36 : i32 to vector<512x1000xi32>
    %shift_right_logical3A_38 = arith.shrui %xor3A, %shift_right_logical3A_37 : vector<512x1000xi32>
    %or3A_39 = arith.ori %shift_left3A_35, %shift_right_logical3A_38 : vector<512x1000xi32>
    %xor3A_40 = arith.xori %or3A_39, %add3A_32 : vector<512x1000xi32>
    %add3A_41 = arith.addi %add3A_32, %xor3A_40 : vector<512x1000xi32>
    %shift_left3A_42 = arith.constant 26 : i32
    %shift_left3A_43 = vector.broadcast %shift_left3A_42 : i32 to vector<512x1000xi32>
    %shift_left3A_44 = arith.shli %xor3A_40, %shift_left3A_43 : vector<512x1000xi32>
    %shift_right_logical3A_45 = arith.constant 6 : i32
    %shift_right_logical3A_46 = vector.broadcast %shift_right_logical3A_45 : i32 to vector<512x1000xi32>
    %shift_right_logical3A_47 = arith.shrui %xor3A_40, %shift_right_logical3A_46 : vector<512x1000xi32>
    %or3A_48 = arith.ori %shift_left3A_44, %shift_right_logical3A_47 : vector<512x1000xi32>
    %xor3A_49 = arith.xori %or3A_48, %add3A_41 : vector<512x1000xi32>
    %add3A_50 = arith.addi %add3A_41, %xor3A_49 : vector<512x1000xi32>
    %shift_left3A_51 = arith.constant 6 : i32
    %shift_left3A_52 = vector.broadcast %shift_left3A_51 : i32 to vector<512x1000xi32>
    %shift_left3A_53 = arith.shli %xor3A_49, %shift_left3A_52 : vector<512x1000xi32>
    %shift_right_logical3A_54 = arith.constant 26 : i32
    %shift_right_logical3A_55 = vector.broadcast %shift_right_logical3A_54 : i32 to vector<512x1000xi32>
    %shift_right_logical3A_56 = arith.shrui %xor3A_49, %shift_right_logical3A_55 : vector<512x1000xi32>
    %or3A_57 = arith.ori %shift_left3A_53, %shift_right_logical3A_56 : vector<512x1000xi32>
    %xor3A_58 = arith.xori %or3A_57, %add3A_50 : vector<512x1000xi32>
    %add3A_59 = arith.constant 270669613 : i32
    %add3A_60 = vector.broadcast %add3A_59 : i32 to vector<512x1000xi32>
    %add3A_61 = arith.addi %add3A_50, %add3A_60 : vector<512x1000xi32>
    %add3A_62 = arith.constant 1724713080 : i32
    %add3A_63 = vector.broadcast %add3A_62 : i32 to vector<512x1000xi32>
    %add3A_64 = arith.addi %xor3A_58, %add3A_63 : vector<512x1000xi32>
    %add3A_65 = arith.constant 1 : i32
    %add3A_66 = vector.broadcast %add3A_65 : i32 to vector<512x1000xi32>
    %add3A_67 = arith.addi %add3A_64, %add3A_66 : vector<512x1000xi32>
    %add3A_68 = arith.addi %add3A_61, %add3A_67 : vector<512x1000xi32>
    %shift_left3A_69 = arith.constant 17 : i32
    %shift_left3A_70 = vector.broadcast %shift_left3A_69 : i32 to vector<512x1000xi32>
    %shift_left3A_71 = arith.shli %add3A_67, %shift_left3A_70 : vector<512x1000xi32>
    %shift_right_logical3A_72 = arith.constant 15 : i32
    %shift_right_logical3A_73 = vector.broadcast %shift_right_logical3A_72 : i32 to vector<512x1000xi32>
    %shift_right_logical3A_74 = arith.shrui %add3A_67, %shift_right_logical3A_73 : vector<512x1000xi32>
    %or3A_75 = arith.ori %shift_left3A_71, %shift_right_logical3A_74 : vector<512x1000xi32>
    %xor3A_76 = arith.xori %or3A_75, %add3A_68 : vector<512x1000xi32>
    %add3A_77 = arith.addi %add3A_68, %xor3A_76 : vector<512x1000xi32>
    %shift_left3A_78 = arith.constant 29 : i32
    %shift_left3A_79 = vector.broadcast %shift_left3A_78 : i32 to vector<512x1000xi32>
    %shift_left3A_80 = arith.shli %xor3A_76, %shift_left3A_79 : vector<512x1000xi32>
    %shift_right_logical3A_81 = arith.constant 3 : i32
    %shift_right_logical3A_82 = vector.broadcast %shift_right_logical3A_81 : i32 to vector<512x1000xi32>
    %shift_right_logical3A_83 = arith.shrui %xor3A_76, %shift_right_logical3A_82 : vector<512x1000xi32>
    %or3A_84 = arith.ori %shift_left3A_80, %shift_right_logical3A_83 : vector<512x1000xi32>
    %xor3A_85 = arith.xori %or3A_84, %add3A_77 : vector<512x1000xi32>
    %add3A_86 = arith.addi %add3A_77, %xor3A_85 : vector<512x1000xi32>
    %shift_left3A_87 = arith.constant 16 : i32
    %shift_left3A_88 = vector.broadcast %shift_left3A_87 : i32 to vector<512x1000xi32>
    %shift_left3A_89 = arith.shli %xor3A_85, %shift_left3A_88 : vector<512x1000xi32>
    %shift_right_logical3A_90 = arith.constant 16 : i32
    %shift_right_logical3A_91 = vector.broadcast %shift_right_logical3A_90 : i32 to vector<512x1000xi32>
    %shift_right_logical3A_92 = arith.shrui %xor3A_85, %shift_right_logical3A_91 : vector<512x1000xi32>
    %or3A_93 = arith.ori %shift_left3A_89, %shift_right_logical3A_92 : vector<512x1000xi32>
    %xor3A_94 = arith.xori %or3A_93, %add3A_86 : vector<512x1000xi32>
    %add3A_95 = arith.addi %add3A_86, %xor3A_94 : vector<512x1000xi32>
    %shift_left3A_96 = arith.constant 24 : i32
    %shift_left3A_97 = vector.broadcast %shift_left3A_96 : i32 to vector<512x1000xi32>
    %shift_left3A_98 = arith.shli %xor3A_94, %shift_left3A_97 : vector<512x1000xi32>
    %shift_right_logical3A_99 = arith.constant 8 : i32
    %shift_right_logical3A_100 = vector.broadcast %shift_right_logical3A_99 : i32 to vector<512x1000xi32>
    %shift_right_logical3A_101 = arith.shrui %xor3A_94, %shift_right_logical3A_100 : vector<512x1000xi32>
    %or3A_102 = arith.ori %shift_left3A_98, %shift_right_logical3A_101 : vector<512x1000xi32>
    %xor3A_103 = arith.xori %or3A_102, %add3A_95 : vector<512x1000xi32>
    %add3A_104 = arith.constant 1724713080 : i32
    %add3A_105 = vector.broadcast %add3A_104 : i32 to vector<512x1000xi32>
    %add3A_106 = arith.addi %add3A_95, %add3A_105 : vector<512x1000xi32>
    %add3A_107 = arith.constant 1832780943 : i32
    %add3A_108 = vector.broadcast %add3A_107 : i32 to vector<512x1000xi32>
    %add3A_109 = arith.addi %xor3A_103, %add3A_108 : vector<512x1000xi32>
    %add3A_110 = arith.constant 2 : i32
    %add3A_111 = vector.broadcast %add3A_110 : i32 to vector<512x1000xi32>
    %add3A_112 = arith.addi %add3A_109, %add3A_111 : vector<512x1000xi32>
    %add3A_113 = arith.addi %add3A_106, %add3A_112 : vector<512x1000xi32>
    %shift_left3A_114 = arith.constant 13 : i32
    %shift_left3A_115 = vector.broadcast %shift_left3A_114 : i32 to vector<512x1000xi32>
    %shift_left3A_116 = arith.shli %add3A_112, %shift_left3A_115 : vector<512x1000xi32>
    %shift_right_logical3A_117 = arith.constant 19 : i32
    %shift_right_logical3A_118 = vector.broadcast %shift_right_logical3A_117 : i32 to vector<512x1000xi32>
    %shift_right_logical3A_119 = arith.shrui %add3A_112, %shift_right_logical3A_118 : vector<512x1000xi32>
    %or3A_120 = arith.ori %shift_left3A_116, %shift_right_logical3A_119 : vector<512x1000xi32>
    %xor3A_121 = arith.xori %or3A_120, %add3A_113 : vector<512x1000xi32>
    %add3A_122 = arith.addi %add3A_113, %xor3A_121 : vector<512x1000xi32>
    %shift_left3A_123 = arith.constant 15 : i32
    %shift_left3A_124 = vector.broadcast %shift_left3A_123 : i32 to vector<512x1000xi32>
    %shift_left3A_125 = arith.shli %xor3A_121, %shift_left3A_124 : vector<512x1000xi32>
    %shift_right_logical3A_126 = arith.constant 17 : i32
    %shift_right_logical3A_127 = vector.broadcast %shift_right_logical3A_126 : i32 to vector<512x1000xi32>
    %shift_right_logical3A_128 = arith.shrui %xor3A_121, %shift_right_logical3A_127 : vector<512x1000xi32>
    %or3A_129 = arith.ori %shift_left3A_125, %shift_right_logical3A_128 : vector<512x1000xi32>
    %xor3A_130 = arith.xori %or3A_129, %add3A_122 : vector<512x1000xi32>
    %add3A_131 = arith.addi %add3A_122, %xor3A_130 : vector<512x1000xi32>
    %shift_left3A_132 = arith.constant 26 : i32
    %shift_left3A_133 = vector.broadcast %shift_left3A_132 : i32 to vector<512x1000xi32>
    %shift_left3A_134 = arith.shli %xor3A_130, %shift_left3A_133 : vector<512x1000xi32>
    %shift_right_logical3A_135 = arith.constant 6 : i32
    %shift_right_logical3A_136 = vector.broadcast %shift_right_logical3A_135 : i32 to vector<512x1000xi32>
    %shift_right_logical3A_137 = arith.shrui %xor3A_130, %shift_right_logical3A_136 : vector<512x1000xi32>
    %or3A_138 = arith.ori %shift_left3A_134, %shift_right_logical3A_137 : vector<512x1000xi32>
    %xor3A_139 = arith.xori %or3A_138, %add3A_131 : vector<512x1000xi32>
    %add3A_140 = arith.addi %add3A_131, %xor3A_139 : vector<512x1000xi32>
    %shift_left3A_141 = arith.constant 6 : i32
    %shift_left3A_142 = vector.broadcast %shift_left3A_141 : i32 to vector<512x1000xi32>
    %shift_left3A_143 = arith.shli %xor3A_139, %shift_left3A_142 : vector<512x1000xi32>
    %shift_right_logical3A_144 = arith.constant 26 : i32
    %shift_right_logical3A_145 = vector.broadcast %shift_right_logical3A_144 : i32 to vector<512x1000xi32>
    %shift_right_logical3A_146 = arith.shrui %xor3A_139, %shift_right_logical3A_145 : vector<512x1000xi32>
    %or3A_147 = arith.ori %shift_left3A_143, %shift_right_logical3A_146 : vector<512x1000xi32>
    %xor3A_148 = arith.xori %or3A_147, %add3A_140 : vector<512x1000xi32>
    %add3A_149 = arith.constant 1832780943 : i32
    %add3A_150 = vector.broadcast %add3A_149 : i32 to vector<512x1000xi32>
    %add3A_151 = arith.addi %add3A_140, %add3A_150 : vector<512x1000xi32>
    %add3A_152 = arith.constant 270669613 : i32
    %add3A_153 = vector.broadcast %add3A_152 : i32 to vector<512x1000xi32>
    %add3A_154 = arith.addi %xor3A_148, %add3A_153 : vector<512x1000xi32>
    %add3A_155 = arith.constant 3 : i32
    %add3A_156 = vector.broadcast %add3A_155 : i32 to vector<512x1000xi32>
    %add3A_157 = arith.addi %add3A_154, %add3A_156 : vector<512x1000xi32>
    %add3A_158 = arith.addi %add3A_151, %add3A_157 : vector<512x1000xi32>
    %shift_left3A_159 = arith.constant 17 : i32
    %shift_left3A_160 = vector.broadcast %shift_left3A_159 : i32 to vector<512x1000xi32>
    %shift_left3A_161 = arith.shli %add3A_157, %shift_left3A_160 : vector<512x1000xi32>
    %shift_right_logical3A_162 = arith.constant 15 : i32
    %shift_right_logical3A_163 = vector.broadcast %shift_right_logical3A_162 : i32 to vector<512x1000xi32>
    %shift_right_logical3A_164 = arith.shrui %add3A_157, %shift_right_logical3A_163 : vector<512x1000xi32>
    %or3A_165 = arith.ori %shift_left3A_161, %shift_right_logical3A_164 : vector<512x1000xi32>
    %xor3A_166 = arith.xori %or3A_165, %add3A_158 : vector<512x1000xi32>
    %add3A_167 = arith.addi %add3A_158, %xor3A_166 : vector<512x1000xi32>
    %shift_left3A_168 = arith.constant 29 : i32
    %shift_left3A_169 = vector.broadcast %shift_left3A_168 : i32 to vector<512x1000xi32>
    %shift_left3A_170 = arith.shli %xor3A_166, %shift_left3A_169 : vector<512x1000xi32>
    %shift_right_logical3A_171 = arith.constant 3 : i32
    %shift_right_logical3A_172 = vector.broadcast %shift_right_logical3A_171 : i32 to vector<512x1000xi32>
    %shift_right_logical3A_173 = arith.shrui %xor3A_166, %shift_right_logical3A_172 : vector<512x1000xi32>
    %or3A_174 = arith.ori %shift_left3A_170, %shift_right_logical3A_173 : vector<512x1000xi32>
    %xor3A_175 = arith.xori %or3A_174, %add3A_167 : vector<512x1000xi32>
    %add3A_176 = arith.addi %add3A_167, %xor3A_175 : vector<512x1000xi32>
    %shift_left3A_177 = arith.constant 16 : i32
    %shift_left3A_178 = vector.broadcast %shift_left3A_177 : i32 to vector<512x1000xi32>
    %shift_left3A_179 = arith.shli %xor3A_175, %shift_left3A_178 : vector<512x1000xi32>
    %shift_right_logical3A_180 = arith.constant 16 : i32
    %shift_right_logical3A_181 = vector.broadcast %shift_right_logical3A_180 : i32 to vector<512x1000xi32>
    %shift_right_logical3A_182 = arith.shrui %xor3A_175, %shift_right_logical3A_181 : vector<512x1000xi32>
    %or3A_183 = arith.ori %shift_left3A_179, %shift_right_logical3A_182 : vector<512x1000xi32>
    %xor3A_184 = arith.xori %or3A_183, %add3A_176 : vector<512x1000xi32>
    %add3A_185 = arith.addi %add3A_176, %xor3A_184 : vector<512x1000xi32>
    %shift_left3A_186 = arith.constant 24 : i32
    %shift_left3A_187 = vector.broadcast %shift_left3A_186 : i32 to vector<512x1000xi32>
    %shift_left3A_188 = arith.shli %xor3A_184, %shift_left3A_187 : vector<512x1000xi32>
    %shift_right_logical3A_189 = arith.constant 8 : i32
    %shift_right_logical3A_190 = vector.broadcast %shift_right_logical3A_189 : i32 to vector<512x1000xi32>
    %shift_right_logical3A_191 = arith.shrui %xor3A_184, %shift_right_logical3A_190 : vector<512x1000xi32>
    %or3A_192 = arith.ori %shift_left3A_188, %shift_right_logical3A_191 : vector<512x1000xi32>
    %xor3A_193 = arith.xori %or3A_192, %add3A_185 : vector<512x1000xi32>
    %add3A_194 = arith.constant 270669613 : i32
    %add3A_195 = vector.broadcast %add3A_194 : i32 to vector<512x1000xi32>
    %add3A_196 = arith.addi %add3A_185, %add3A_195 : vector<512x1000xi32>
    %add3A_197 = arith.constant 1724713080 : i32
    %add3A_198 = vector.broadcast %add3A_197 : i32 to vector<512x1000xi32>
    %add3A_199 = arith.addi %xor3A_193, %add3A_198 : vector<512x1000xi32>
    %add3A_200 = arith.constant 4 : i32
    %add3A_201 = vector.broadcast %add3A_200 : i32 to vector<512x1000xi32>
    %add3A_202 = arith.addi %add3A_199, %add3A_201 : vector<512x1000xi32>
    %add3A_203 = arith.addi %add3A_196, %add3A_202 : vector<512x1000xi32>
    %shift_left3A_204 = arith.constant 13 : i32
    %shift_left3A_205 = vector.broadcast %shift_left3A_204 : i32 to vector<512x1000xi32>
    %shift_left3A_206 = arith.shli %add3A_202, %shift_left3A_205 : vector<512x1000xi32>
    %shift_right_logical3A_207 = arith.constant 19 : i32
    %shift_right_logical3A_208 = vector.broadcast %shift_right_logical3A_207 : i32 to vector<512x1000xi32>
    %shift_right_logical3A_209 = arith.shrui %add3A_202, %shift_right_logical3A_208 : vector<512x1000xi32>
    %or3A_210 = arith.ori %shift_left3A_206, %shift_right_logical3A_209 : vector<512x1000xi32>
    %xor3A_211 = arith.xori %or3A_210, %add3A_203 : vector<512x1000xi32>
    %add3A_212 = arith.addi %add3A_203, %xor3A_211 : vector<512x1000xi32>
    %shift_left3A_213 = arith.constant 15 : i32
    %shift_left3A_214 = vector.broadcast %shift_left3A_213 : i32 to vector<512x1000xi32>
    %shift_left3A_215 = arith.shli %xor3A_211, %shift_left3A_214 : vector<512x1000xi32>
    %shift_right_logical3A_216 = arith.constant 17 : i32
    %shift_right_logical3A_217 = vector.broadcast %shift_right_logical3A_216 : i32 to vector<512x1000xi32>
    %shift_right_logical3A_218 = arith.shrui %xor3A_211, %shift_right_logical3A_217 : vector<512x1000xi32>
    %or3A_219 = arith.ori %shift_left3A_215, %shift_right_logical3A_218 : vector<512x1000xi32>
    %xor3A_220 = arith.xori %or3A_219, %add3A_212 : vector<512x1000xi32>
    %add3A_221 = arith.addi %add3A_212, %xor3A_220 : vector<512x1000xi32>
    %shift_left3A_222 = arith.constant 26 : i32
    %shift_left3A_223 = vector.broadcast %shift_left3A_222 : i32 to vector<512x1000xi32>
    %shift_left3A_224 = arith.shli %xor3A_220, %shift_left3A_223 : vector<512x1000xi32>
    %shift_right_logical3A_225 = arith.constant 6 : i32
    %shift_right_logical3A_226 = vector.broadcast %shift_right_logical3A_225 : i32 to vector<512x1000xi32>
    %shift_right_logical3A_227 = arith.shrui %xor3A_220, %shift_right_logical3A_226 : vector<512x1000xi32>
    %or3A_228 = arith.ori %shift_left3A_224, %shift_right_logical3A_227 : vector<512x1000xi32>
    %xor3A_229 = arith.xori %or3A_228, %add3A_221 : vector<512x1000xi32>
    %add3A_230 = arith.addi %add3A_221, %xor3A_229 : vector<512x1000xi32>
    %shift_left3A_231 = arith.constant 6 : i32
    %shift_left3A_232 = vector.broadcast %shift_left3A_231 : i32 to vector<512x1000xi32>
    %shift_left3A_233 = arith.shli %xor3A_229, %shift_left3A_232 : vector<512x1000xi32>
    %shift_right_logical3A_234 = arith.constant 26 : i32
    %shift_right_logical3A_235 = vector.broadcast %shift_right_logical3A_234 : i32 to vector<512x1000xi32>
    %shift_right_logical3A_236 = arith.shrui %xor3A_229, %shift_right_logical3A_235 : vector<512x1000xi32>
    %or3A_237 = arith.ori %shift_left3A_233, %shift_right_logical3A_236 : vector<512x1000xi32>
    %xor3A_238 = arith.xori %or3A_237, %add3A_230 : vector<512x1000xi32>
    %add3A_239 = arith.constant 1724713080 : i32
    %add3A_240 = vector.broadcast %add3A_239 : i32 to vector<512x1000xi32>
    %add3A_241 = arith.addi %add3A_230, %add3A_240 : vector<512x1000xi32>
    %add3A_242 = arith.constant 1832780943 : i32
    %add3A_243 = vector.broadcast %add3A_242 : i32 to vector<512x1000xi32>
    %add3A_244 = arith.addi %xor3A_238, %add3A_243 : vector<512x1000xi32>
    %add3A_245 = arith.constant 5 : i32
    %add3A_246 = vector.broadcast %add3A_245 : i32 to vector<512x1000xi32>
    %add3A_247 = arith.addi %add3A_244, %add3A_246 : vector<512x1000xi32>
    %xor3A_248 = arith.xori %add3A_241, %add3A_247 : vector<512x1000xi32>
    %shift_right_logical3A_249 = arith.constant 9 : i32
    %shift_right_logical3A_250 = vector.broadcast %shift_right_logical3A_249 : i32 to vector<512x1000xi32>
    %shift_right_logical3A_251 = arith.shrui %xor3A_248, %shift_right_logical3A_250 : vector<512x1000xi32>
    %reduce_max3A = arith.constant dense<-2147483648> : vector<512xi32>
    %reduce_max3A_252 = vector.multi_reduction <maxsi>, %shift_right_logical3A_251, %reduce_max3A [1] : vector<512x1000xi32> to vector<512xi32>
    %broadcast_in_dim3A_253 = vector.shape_cast %reduce_max3A_252 : vector<512xi32> to vector<512x1xi32>
    %eq3A_254 = vector.broadcast %broadcast_in_dim3A_253 : vector<512x1xi32> to vector<512x1000xi32>
    %eq3A_255 = arith.cmpi eq, %shift_right_logical3A_251, %eq3A_254 : vector<512x1000xi32>
    %jit3A = arith.constant 1000 : i32
    %broadcast_in_dim3A_256 = vector.broadcast %jit3A : i32 to vector<512x1000xi32>
    %select_n3A = arith.select %eq3A_255, %iota3A_12, %broadcast_in_dim3A_256 : vector<512x1000xi1>, vector<512x1000xi32>
    %reduce_min3A = arith.constant dense<2147483647> : vector<512xi32>
    %reduce_min3A_257 = vector.multi_reduction <minsi>, %select_n3A, %reduce_min3A [1] : vector<512x1000xi32> to vector<512xi32>
    %broadcast_in_dim3A_258 = vector.shape_cast %reduce_min3A_257 : vector<512xi32> to vector<512x1xi32>
    %mul3A_259 = arith.constant 512 : i32
    %mul3A_260 = arith.muli %arg0, %mul3A_259 : i32
    %dma_wait3A = tpu.memref_slice %arg5[%rem3A_0] : memref<2x!tpu.dma_semaphore, #tpu.memory_space<semaphore_mem>> -> memref<1x!tpu.dma_semaphore, #tpu.memory_space<semaphore_mem>>
    %dma_wait3A_261 = tpu.memref_squeeze %dma_wait3A : memref<1x!tpu.dma_semaphore, #tpu.memory_space<semaphore_mem>> -> memref<!tpu.dma_semaphore, #tpu.memory_space<semaphore_mem>>
    %dma_wait3A_262 = arith.constant 0 : i32
    %dma_wait3A_263 = arith.constant 0 : i32
    %dma_wait3A_264 = tpu.memref_slice %arg4[%rem3A_0, %dma_wait3A_262, %dma_wait3A_263] : memref<2x512x1000xf32, #tpu.memory_space<vmem>> -> memref<1x512x1000xf32, #tpu.memory_space<vmem>>
    %dma_wait3A_265 = tpu.memref_squeeze %dma_wait3A_264 : memref<1x512x1000xf32, #tpu.memory_space<vmem>> -> memref<512x1000xf32, #tpu.memory_space<vmem>>
    %dma_wait3A_266 = arith.constant 0 : i32
    %dma_wait3A_267 = tpu.memref_slice %arg1[%mul3A_260, %dma_wait3A_266] : memref<4096x1000xf32, #tpu.memory_space<any>> -> memref<512x1000xf32, #tpu.memory_space<any>>
    tpu.wait_dma2 semaphore(%dma_wait3A_261 : memref<!tpu.dma_semaphore, #tpu.memory_space<semaphore_mem>>) src(%dma_wait3A_267 : memref<512x1000xf32, #tpu.memory_space<any>>) dst(%dma_wait3A_265 : memref<512x1000xf32, #tpu.memory_space<vmem>>)
    %get3A = arith.index_cast %rem3A_0 : i32 to index
    %get3A_268 = arith.constant 0 : index
    %get3A_269 = arith.constant 0 : index
    %get3A_270 = vector.load %arg4[%get3A, %get3A_268, %get3A_269] : memref<2x512x1000xf32, #tpu.memory_space<vmem>>, vector<1x512x1000xf32>
    %get3A_271 = vector.shape_cast %get3A_270 : vector<1x512x1000xf32> to vector<512x1000xf32>
    %eq3A_272 = vector.broadcast %broadcast_in_dim3A_258 : vector<512x1xi32> to vector<512x1000xi32>
    %eq3A_273 = arith.cmpi eq, %iota3A_12, %eq3A_272 : vector<512x1000xi32>
    %jit3A_274 = arith.constant 0xFF800000 : f32
    %broadcast_in_dim3A_275 = vector.broadcast %jit3A_274 : f32 to vector<512x1000xf32>
    %select_n3A_276 = arith.select %eq3A_273, %get3A_271, %broadcast_in_dim3A_275 : vector<512x1000xi1>, vector<512x1000xf32>
    %reduce_max3A_277 = arith.constant dense<0xFF800000> : vector<512xf32>
    %reduce_max3A_278 = vector.multi_reduction <maximumf>, %select_n3A_276, %reduce_max3A_277 [1] : vector<512x1000xf32> to vector<512xf32>
    %broadcast_in_dim3A_279 = vector.shape_cast %reduce_max3A_278 : vector<512xf32> to vector<512x1xf32>
    %swap3A = arith.constant 0 : index
    %swap3A_280 = arith.constant 0 : index
    %swap3A_281 = vector.load %arg2[%swap3A, %swap3A_280] : memref<512x1xi32, #tpu.memory_space<vmem>>, vector<512x1xi32>
    tpu.vector_store %arg2[%swap3A, %swap3A_280], %broadcast_in_dim3A_258 {strides = array<i32>} : memref<512x1xi32, #tpu.memory_space<vmem>>, vector<512x1xi32>,
    %swap3A_282 = arith.constant 0 : index
    %swap3A_283 = arith.constant 0 : index
    %swap3A_284 = vector.load %arg3[%swap3A_282, %swap3A_283] : memref<512x1xf32, #tpu.memory_space<vmem>>, vector<512x1xf32>
    tpu.vector_store %arg3[%swap3A_282, %swap3A_283], %broadcast_in_dim3A_279 {strides = array<i32>} : memref<512x1xf32, #tpu.memory_space<vmem>>, vector<512x1xf32>,
    %eq3A_285 = arith.constant -1.000000e+00 : f32
    %eq3A_286 = vector.broadcast %eq3A_285 : f32 to vector<512x1xf32>
    %eq3A_287 = arith.cmpf oeq, %broadcast_in_dim3A_279, %eq3A_286 : vector<512x1xf32>
    %reduce_or3A = arith.constant 1.000000e+00 : f32
    %reduce_or3A_288 = arith.constant 0.000000e+00 : f32
    %reduce_or3A_289 = vector.broadcast %reduce_or3A : f32 to vector<512x1xf32>
    %reduce_or3A_290 = vector.broadcast %reduce_or3A_288 : f32 to vector<512x1xf32>
    %reduce_or3A_291 = arith.select %eq3A_287, %reduce_or3A_289, %reduce_or3A_290 : vector<512x1xi1>, vector<512x1xf32>
    %reduce_or3A_292 = vector.shape_cast %reduce_or3A_291 : vector<512x1xf32> to vector<1x512x1xf32>
    %reduce_or3A_293 = arith.constant dense<0xFF800000> : vector<1xf32>
    %reduce_or3A_294 = vector.multi_reduction <maximumf>, %reduce_or3A_292, %reduce_or3A_293 [1, 2] : vector<1x512x1xf32> to vector<1xf32>
    %reduce_or3A_295 = vector.shape_cast %reduce_or3A_294 : vector<1xf32> to vector<1x1x1xf32>
    %reduce_or3A_296 = vector.extract %reduce_or3A_295[0, 0, 0] : f32 from vector<1x1x1xf32>
    %reduce_or3A_297 = arith.constant 0.000000e+00 : f32
    %reduce_or3A_298 = arith.cmpf ogt, %reduce_or3A_296, %reduce_or3A_297 : f32
    %convert_element_type3A_299 = arith.extui %reduce_or3A_298 : i1 to i32
    %cond3A_300 = arith.constant 0 : i32
    %cond3A_301 = arith.cmpi ne, %convert_element_type3A_299, %cond3A_300 : i32
    scf.if %cond3A_301 {
      %broadcast_in_dim3A_302 = arith.constant 0 : i32
      %broadcast_in_dim3A_303 = vector.broadcast %broadcast_in_dim3A_302 : i32 to vector<512x1000xi32>
      %add3A_304 = arith.constant 64467757 : i32
      %add3A_305 = vector.broadcast %add3A_304 : i32 to vector<512x1000xi32>
      %add3A_306 = arith.addi %broadcast_in_dim3A_303, %add3A_305 : vector<512x1000xi32>
      %add3A_307 = arith.constant -1378843660 : i32
      %add3A_308 = vector.broadcast %add3A_307 : i32 to vector<512x1000xi32>
      %add3A_309 = arith.addi %add3A_19, %add3A_308 : vector<512x1000xi32>
      %add3A_310 = arith.addi %add3A_306, %add3A_309 : vector<512x1000xi32>
      %shift_left3A_311 = arith.constant 13 : i32
      %shift_left3A_312 = vector.broadcast %shift_left3A_311 : i32 to vector<512x1000xi32>
      %shift_left3A_313 = arith.shli %add3A_309, %shift_left3A_312 : vector<512x1000xi32>
      %shift_right_logical3A_314 = arith.constant 19 : i32
      %shift_right_logical3A_315 = vector.broadcast %shift_right_logical3A_314 : i32 to vector<512x1000xi32>
      %shift_right_logical3A_316 = arith.shrui %add3A_309, %shift_right_logical3A_315 : vector<512x1000xi32>
      %or3A_317 = arith.ori %shift_left3A_313, %shift_right_logical3A_316 : vector<512x1000xi32>
      %xor3A_318 = arith.xori %or3A_317, %add3A_310 : vector<512x1000xi32>
      %add3A_319 = arith.addi %add3A_310, %xor3A_318 : vector<512x1000xi32>
      %shift_left3A_320 = arith.constant 15 : i32
      %shift_left3A_321 = vector.broadcast %shift_left3A_320 : i32 to vector<512x1000xi32>
      %shift_left3A_322 = arith.shli %xor3A_318, %shift_left3A_321 : vector<512x1000xi32>
      %shift_right_logical3A_323 = arith.constant 17 : i32
      %shift_right_logical3A_324 = vector.broadcast %shift_right_logical3A_323 : i32 to vector<512x1000xi32>
      %shift_right_logical3A_325 = arith.shrui %xor3A_318, %shift_right_logical3A_324 : vector<512x1000xi32>
      %or3A_326 = arith.ori %shift_left3A_322, %shift_right_logical3A_325 : vector<512x1000xi32>
      %xor3A_327 = arith.xori %or3A_326, %add3A_319 : vector<512x1000xi32>
      %add3A_328 = arith.addi %add3A_319, %xor3A_327 : vector<512x1000xi32>
      %shift_left3A_329 = arith.constant 26 : i32
      %shift_left3A_330 = vector.broadcast %shift_left3A_329 : i32 to vector<512x1000xi32>
      %shift_left3A_331 = arith.shli %xor3A_327, %shift_left3A_330 : vector<512x1000xi32>
      %shift_right_logical3A_332 = arith.constant 6 : i32
      %shift_right_logical3A_333 = vector.broadcast %shift_right_logical3A_332 : i32 to vector<512x1000xi32>
      %shift_right_logical3A_334 = arith.shrui %xor3A_327, %shift_right_logical3A_333 : vector<512x1000xi32>
      %or3A_335 = arith.ori %shift_left3A_331, %shift_right_logical3A_334 : vector<512x1000xi32>
      %xor3A_336 = arith.xori %or3A_335, %add3A_328 : vector<512x1000xi32>
      %add3A_337 = arith.addi %add3A_328, %xor3A_336 : vector<512x1000xi32>
      %shift_left3A_338 = arith.constant 6 : i32
      %shift_left3A_339 = vector.broadcast %shift_left3A_338 : i32 to vector<512x1000xi32>
      %shift_left3A_340 = arith.shli %xor3A_336, %shift_left3A_339 : vector<512x1000xi32>
      %shift_right_logical3A_341 = arith.constant 26 : i32
      %shift_right_logical3A_342 = vector.broadcast %shift_right_logical3A_341 : i32 to vector<512x1000xi32>
      %shift_right_logical3A_343 = arith.shrui %xor3A_336, %shift_right_logical3A_342 : vector<512x1000xi32>
      %or3A_344 = arith.ori %shift_left3A_340, %shift_right_logical3A_343 : vector<512x1000xi32>
      %xor3A_345 = arith.xori %or3A_344, %add3A_337 : vector<512x1000xi32>
      %add3A_346 = arith.constant -1378843660 : i32
      %add3A_347 = vector.broadcast %add3A_346 : i32 to vector<512x1000xi32>
      %add3A_348 = arith.addi %add3A_337, %add3A_347 : vector<512x1000xi32>
      %add3A_349 = arith.constant -1244255485 : i32
      %add3A_350 = vector.broadcast %add3A_349 : i32 to vector<512x1000xi32>
      %add3A_351 = arith.addi %xor3A_345, %add3A_350 : vector<512x1000xi32>
      %add3A_352 = arith.constant 1 : i32
      %add3A_353 = vector.broadcast %add3A_352 : i32 to vector<512x1000xi32>
      %add3A_354 = arith.addi %add3A_351, %add3A_353 : vector<512x1000xi32>
      %add3A_355 = arith.addi %add3A_348, %add3A_354 : vector<512x1000xi32>
      %shift_left3A_356 = arith.constant 17 : i32
      %shift_left3A_357 = vector.broadcast %shift_left3A_356 : i32 to vector<512x1000xi32>
      %shift_left3A_358 = arith.shli %add3A_354, %shift_left3A_357 : vector<512x1000xi32>
      %shift_right_logical3A_359 = arith.constant 15 : i32
      %shift_right_logical3A_360 = vector.broadcast %shift_right_logical3A_359 : i32 to vector<512x1000xi32>
      %shift_right_logical3A_361 = arith.shrui %add3A_354, %shift_right_logical3A_360 : vector<512x1000xi32>
      %or3A_362 = arith.ori %shift_left3A_358, %shift_right_logical3A_361 : vector<512x1000xi32>
      %xor3A_363 = arith.xori %or3A_362, %add3A_355 : vector<512x1000xi32>
      %add3A_364 = arith.addi %add3A_355, %xor3A_363 : vector<512x1000xi32>
      %shift_left3A_365 = arith.constant 29 : i32
      %shift_left3A_366 = vector.broadcast %shift_left3A_365 : i32 to vector<512x1000xi32>
      %shift_left3A_367 = arith.shli %xor3A_363, %shift_left3A_366 : vector<512x1000xi32>
      %shift_right_logical3A_368 = arith.constant 3 : i32
      %shift_right_logical3A_369 = vector.broadcast %shift_right_logical3A_368 : i32 to vector<512x1000xi32>
      %shift_right_logical3A_370 = arith.shrui %xor3A_363, %shift_right_logical3A_369 : vector<512x1000xi32>
      %or3A_371 = arith.ori %shift_left3A_367, %shift_right_logical3A_370 : vector<512x1000xi32>
      %xor3A_372 = arith.xori %or3A_371, %add3A_364 : vector<512x1000xi32>
      %add3A_373 = arith.addi %add3A_364, %xor3A_372 : vector<512x1000xi32>
      %shift_left3A_374 = arith.constant 16 : i32
      %shift_left3A_375 = vector.broadcast %shift_left3A_374 : i32 to vector<512x1000xi32>
      %shift_left3A_376 = arith.shli %xor3A_372, %shift_left3A_375 : vector<512x1000xi32>
      %shift_right_logical3A_377 = arith.constant 16 : i32
      %shift_right_logical3A_378 = vector.broadcast %shift_right_logical3A_377 : i32 to vector<512x1000xi32>
      %shift_right_logical3A_379 = arith.shrui %xor3A_372, %shift_right_logical3A_378 : vector<512x1000xi32>
      %or3A_380 = arith.ori %shift_left3A_376, %shift_right_logical3A_379 : vector<512x1000xi32>
      %xor3A_381 = arith.xori %or3A_380, %add3A_373 : vector<512x1000xi32>
      %add3A_382 = arith.addi %add3A_373, %xor3A_381 : vector<512x1000xi32>
      %shift_left3A_383 = arith.constant 24 : i32
      %shift_left3A_384 = vector.broadcast %shift_left3A_383 : i32 to vector<512x1000xi32>
      %shift_left3A_385 = arith.shli %xor3A_381, %shift_left3A_384 : vector<512x1000xi32>
      %shift_right_logical3A_386 = arith.constant 8 : i32
      %shift_right_logical3A_387 = vector.broadcast %shift_right_logical3A_386 : i32 to vector<512x1000xi32>
      %shift_right_logical3A_388 = arith.shrui %xor3A_381, %shift_right_logical3A_387 : vector<512x1000xi32>
      %or3A_389 = arith.ori %shift_left3A_385, %shift_right_logical3A_388 : vector<512x1000xi32>
      %xor3A_390 = arith.xori %or3A_389, %add3A_382 : vector<512x1000xi32>
      %add3A_391 = arith.constant -1244255485 : i32
      %add3A_392 = vector.broadcast %add3A_391 : i32 to vector<512x1000xi32>
      %add3A_393 = arith.addi %add3A_382, %add3A_392 : vector<512x1000xi32>
      %add3A_394 = arith.constant 64467757 : i32
      %add3A_395 = vector.broadcast %add3A_394 : i32 to vector<512x1000xi32>
      %add3A_396 = arith.addi %xor3A_390, %add3A_395 : vector<512x1000xi32>
      %add3A_397 = arith.constant 2 : i32
      %add3A_398 = vector.broadcast %add3A_397 : i32 to vector<512x1000xi32>
      %add3A_399 = arith.addi %add3A_396, %add3A_398 : vector<512x1000xi32>
      %add3A_400 = arith.addi %add3A_393, %add3A_399 : vector<512x1000xi32>
      %shift_left3A_401 = arith.constant 13 : i32
      %shift_left3A_402 = vector.broadcast %shift_left3A_401 : i32 to vector<512x1000xi32>
      %shift_left3A_403 = arith.shli %add3A_399, %shift_left3A_402 : vector<512x1000xi32>
      %shift_right_logical3A_404 = arith.constant 19 : i32
      %shift_right_logical3A_405 = vector.broadcast %shift_right_logical3A_404 : i32 to vector<512x1000xi32>
      %shift_right_logical3A_406 = arith.shrui %add3A_399, %shift_right_logical3A_405 : vector<512x1000xi32>
      %or3A_407 = arith.ori %shift_left3A_403, %shift_right_logical3A_406 : vector<512x1000xi32>
      %xor3A_408 = arith.xori %or3A_407, %add3A_400 : vector<512x1000xi32>
      %add3A_409 = arith.addi %add3A_400, %xor3A_408 : vector<512x1000xi32>
      %shift_left3A_410 = arith.constant 15 : i32
      %shift_left3A_411 = vector.broadcast %shift_left3A_410 : i32 to vector<512x1000xi32>
      %shift_left3A_412 = arith.shli %xor3A_408, %shift_left3A_411 : vector<512x1000xi32>
      %shift_right_logical3A_413 = arith.constant 17 : i32
      %shift_right_logical3A_414 = vector.broadcast %shift_right_logical3A_413 : i32 to vector<512x1000xi32>
      %shift_right_logical3A_415 = arith.shrui %xor3A_408, %shift_right_logical3A_414 : vector<512x1000xi32>
      %or3A_416 = arith.ori %shift_left3A_412, %shift_right_logical3A_415 : vector<512x1000xi32>
      %xor3A_417 = arith.xori %or3A_416, %add3A_409 : vector<512x1000xi32>
      %add3A_418 = arith.addi %add3A_409, %xor3A_417 : vector<512x1000xi32>
      %shift_left3A_419 = arith.constant 26 : i32
      %shift_left3A_420 = vector.broadcast %shift_left3A_419 : i32 to vector<512x1000xi32>
      %shift_left3A_421 = arith.shli %xor3A_417, %shift_left3A_420 : vector<512x1000xi32>
      %shift_right_logical3A_422 = arith.constant 6 : i32
      %shift_right_logical3A_423 = vector.broadcast %shift_right_logical3A_422 : i32 to vector<512x1000xi32>
      %shift_right_logical3A_424 = arith.shrui %xor3A_417, %shift_right_logical3A_423 : vector<512x1000xi32>
      %or3A_425 = arith.ori %shift_left3A_421, %shift_right_logical3A_424 : vector<512x1000xi32>
      %xor3A_426 = arith.xori %or3A_425, %add3A_418 : vector<512x1000xi32>
      %add3A_427 = arith.addi %add3A_418, %xor3A_426 : vector<512x1000xi32>
      %shift_left3A_428 = arith.constant 6 : i32
      %shift_left3A_429 = vector.broadcast %shift_left3A_428 : i32 to vector<512x1000xi32>
      %shift_left3A_430 = arith.shli %xor3A_426, %shift_left3A_429 : vector<512x1000xi32>
      %shift_right_logical3A_431 = arith.constant 26 : i32
      %shift_right_logical3A_432 = vector.broadcast %shift_right_logical3A_431 : i32 to vector<512x1000xi32>
      %shift_right_logical3A_433 = arith.shrui %xor3A_426, %shift_right_logical3A_432 : vector<512x1000xi32>
      %or3A_434 = arith.ori %shift_left3A_430, %shift_right_logical3A_433 : vector<512x1000xi32>
      %xor3A_435 = arith.xori %or3A_434, %add3A_427 : vector<512x1000xi32>
      %add3A_436 = arith.constant 64467757 : i32
      %add3A_437 = vector.broadcast %add3A_436 : i32 to vector<512x1000xi32>
      %add3A_438 = arith.addi %add3A_427, %add3A_437 : vector<512x1000xi32>
      %add3A_439 = arith.constant -1378843660 : i32
      %add3A_440 = vector.broadcast %add3A_439 : i32 to vector<512x1000xi32>
      %add3A_441 = arith.addi %xor3A_435, %add3A_440 : vector<512x1000xi32>
      %add3A_442 = arith.constant 3 : i32
      %add3A_443 = vector.broadcast %add3A_442 : i32 to vector<512x1000xi32>
      %add3A_444 = arith.addi %add3A_441, %add3A_443 : vector<512x1000xi32>
      %add3A_445 = arith.addi %add3A_438, %add3A_444 : vector<512x1000xi32>
      %shift_left3A_446 = arith.constant 17 : i32
      %shift_left3A_447 = vector.broadcast %shift_left3A_446 : i32 to vector<512x1000xi32>
      %shift_left3A_448 = arith.shli %add3A_444, %shift_left3A_447 : vector<512x1000xi32>
      %shift_right_logical3A_449 = arith.constant 15 : i32
      %shift_right_logical3A_450 = vector.broadcast %shift_right_logical3A_449 : i32 to vector<512x1000xi32>
      %shift_right_logical3A_451 = arith.shrui %add3A_444, %shift_right_logical3A_450 : vector<512x1000xi32>
      %or3A_452 = arith.ori %shift_left3A_448, %shift_right_logical3A_451 : vector<512x1000xi32>
      %xor3A_453 = arith.xori %or3A_452, %add3A_445 : vector<512x1000xi32>
      %add3A_454 = arith.addi %add3A_445, %xor3A_453 : vector<512x1000xi32>
      %shift_left3A_455 = arith.constant 29 : i32
      %shift_left3A_456 = vector.broadcast %shift_left3A_455 : i32 to vector<512x1000xi32>
      %shift_left3A_457 = arith.shli %xor3A_453, %shift_left3A_456 : vector<512x1000xi32>
      %shift_right_logical3A_458 = arith.constant 3 : i32
      %shift_right_logical3A_459 = vector.broadcast %shift_right_logical3A_458 : i32 to vector<512x1000xi32>
      %shift_right_logical3A_460 = arith.shrui %xor3A_453, %shift_right_logical3A_459 : vector<512x1000xi32>
      %or3A_461 = arith.ori %shift_left3A_457, %shift_right_logical3A_460 : vector<512x1000xi32>
      %xor3A_462 = arith.xori %or3A_461, %add3A_454 : vector<512x1000xi32>
      %add3A_463 = arith.addi %add3A_454, %xor3A_462 : vector<512x1000xi32>
      %shift_left3A_464 = arith.constant 16 : i32
      %shift_left3A_465 = vector.broadcast %shift_left3A_464 : i32 to vector<512x1000xi32>
      %shift_left3A_466 = arith.shli %xor3A_462, %shift_left3A_465 : vector<512x1000xi32>
      %shift_right_logical3A_467 = arith.constant 16 : i32
      %shift_right_logical3A_468 = vector.broadcast %shift_right_logical3A_467 : i32 to vector<512x1000xi32>
      %shift_right_logical3A_469 = arith.shrui %xor3A_462, %shift_right_logical3A_468 : vector<512x1000xi32>
      %or3A_470 = arith.ori %shift_left3A_466, %shift_right_logical3A_469 : vector<512x1000xi32>
      %xor3A_471 = arith.xori %or3A_470, %add3A_463 : vector<512x1000xi32>
      %add3A_472 = arith.addi %add3A_463, %xor3A_471 : vector<512x1000xi32>
      %shift_left3A_473 = arith.constant 24 : i32
      %shift_left3A_474 = vector.broadcast %shift_left3A_473 : i32 to vector<512x1000xi32>
      %shift_left3A_475 = arith.shli %xor3A_471, %shift_left3A_474 : vector<512x1000xi32>
      %shift_right_logical3A_476 = arith.constant 8 : i32
      %shift_right_logical3A_477 = vector.broadcast %shift_right_logical3A_476 : i32 to vector<512x1000xi32>
      %shift_right_logical3A_478 = arith.shrui %xor3A_471, %shift_right_logical3A_477 : vector<512x1000xi32>
      %or3A_479 = arith.ori %shift_left3A_475, %shift_right_logical3A_478 : vector<512x1000xi32>
      %xor3A_480 = arith.xori %or3A_479, %add3A_472 : vector<512x1000xi32>
      %add3A_481 = arith.constant -1378843660 : i32
      %add3A_482 = vector.broadcast %add3A_481 : i32 to vector<512x1000xi32>
      %add3A_483 = arith.addi %add3A_472, %add3A_482 : vector<512x1000xi32>
      %add3A_484 = arith.constant -1244255485 : i32
      %add3A_485 = vector.broadcast %add3A_484 : i32 to vector<512x1000xi32>
      %add3A_486 = arith.addi %xor3A_480, %add3A_485 : vector<512x1000xi32>
      %add3A_487 = arith.constant 4 : i32
      %add3A_488 = vector.broadcast %add3A_487 : i32 to vector<512x1000xi32>
      %add3A_489 = arith.addi %add3A_486, %add3A_488 : vector<512x1000xi32>
      %add3A_490 = arith.addi %add3A_483, %add3A_489 : vector<512x1000xi32>
      %shift_left3A_491 = arith.constant 13 : i32
      %shift_left3A_492 = vector.broadcast %shift_left3A_491 : i32 to vector<512x1000xi32>
      %shift_left3A_493 = arith.shli %add3A_489, %shift_left3A_492 : vector<512x1000xi32>
      %shift_right_logical3A_494 = arith.constant 19 : i32
      %shift_right_logical3A_495 = vector.broadcast %shift_right_logical3A_494 : i32 to vector<512x1000xi32>
      %shift_right_logical3A_496 = arith.shrui %add3A_489, %shift_right_logical3A_495 : vector<512x1000xi32>
      %or3A_497 = arith.ori %shift_left3A_493, %shift_right_logical3A_496 : vector<512x1000xi32>
      %xor3A_498 = arith.xori %or3A_497, %add3A_490 : vector<512x1000xi32>
      %add3A_499 = arith.addi %add3A_490, %xor3A_498 : vector<512x1000xi32>
      %shift_left3A_500 = arith.constant 15 : i32
      %shift_left3A_501 = vector.broadcast %shift_left3A_500 : i32 to vector<512x1000xi32>
      %shift_left3A_502 = arith.shli %xor3A_498, %shift_left3A_501 : vector<512x1000xi32>
      %shift_right_logical3A_503 = arith.constant 17 : i32
      %shift_right_logical3A_504 = vector.broadcast %shift_right_logical3A_503 : i32 to vector<512x1000xi32>
      %shift_right_logical3A_505 = arith.shrui %xor3A_498, %shift_right_logical3A_504 : vector<512x1000xi32>
      %or3A_506 = arith.ori %shift_left3A_502, %shift_right_logical3A_505 : vector<512x1000xi32>
      %xor3A_507 = arith.xori %or3A_506, %add3A_499 : vector<512x1000xi32>
      %add3A_508 = arith.addi %add3A_499, %xor3A_507 : vector<512x1000xi32>
      %shift_left3A_509 = arith.constant 26 : i32
      %shift_left3A_510 = vector.broadcast %shift_left3A_509 : i32 to vector<512x1000xi32>
      %shift_left3A_511 = arith.shli %xor3A_507, %shift_left3A_510 : vector<512x1000xi32>
      %shift_right_logical3A_512 = arith.constant 6 : i32
      %shift_right_logical3A_513 = vector.broadcast %shift_right_logical3A_512 : i32 to vector<512x1000xi32>
      %shift_right_logical3A_514 = arith.shrui %xor3A_507, %shift_right_logical3A_513 : vector<512x1000xi32>
      %or3A_515 = arith.ori %shift_left3A_511, %shift_right_logical3A_514 : vector<512x1000xi32>
      %xor3A_516 = arith.xori %or3A_515, %add3A_508 : vector<512x1000xi32>
      %add3A_517 = arith.addi %add3A_508, %xor3A_516 : vector<512x1000xi32>
      %shift_left3A_518 = arith.constant 6 : i32
      %shift_left3A_519 = vector.broadcast %shift_left3A_518 : i32 to vector<512x1000xi32>
      %shift_left3A_520 = arith.shli %xor3A_516, %shift_left3A_519 : vector<512x1000xi32>
      %shift_right_logical3A_521 = arith.constant 26 : i32
      %shift_right_logical3A_522 = vector.broadcast %shift_right_logical3A_521 : i32 to vector<512x1000xi32>
      %shift_right_logical3A_523 = arith.shrui %xor3A_516, %shift_right_logical3A_522 : vector<512x1000xi32>
      %or3A_524 = arith.ori %shift_left3A_520, %shift_right_logical3A_523 : vector<512x1000xi32>
      %xor3A_525 = arith.xori %or3A_524, %add3A_517 : vector<512x1000xi32>
      %add3A_526 = arith.constant -1244255485 : i32
      %add3A_527 = vector.broadcast %add3A_526 : i32 to vector<512x1000xi32>
      %add3A_528 = arith.addi %add3A_517, %add3A_527 : vector<512x1000xi32>
      %add3A_529 = arith.constant 64467757 : i32
      %add3A_530 = vector.broadcast %add3A_529 : i32 to vector<512x1000xi32>
      %add3A_531 = arith.addi %xor3A_525, %add3A_530 : vector<512x1000xi32>
      %add3A_532 = arith.constant 5 : i32
      %add3A_533 = vector.broadcast %add3A_532 : i32 to vector<512x1000xi32>
      %add3A_534 = arith.addi %add3A_531, %add3A_533 : vector<512x1000xi32>
      %xor3A_535 = arith.xori %add3A_528, %add3A_534 : vector<512x1000xi32>
      %shift_right_logical3A_536 = arith.constant 9 : i32
      %shift_right_logical3A_537 = vector.broadcast %shift_right_logical3A_536 : i32 to vector<512x1000xi32>
      %shift_right_logical3A_538 = arith.shrui %xor3A_535, %shift_right_logical3A_537 : vector<512x1000xi32>
      %eq3A_539 = vector.broadcast %broadcast_in_dim3A_258 : vector<512x1xi32> to vector<512x1000xi32>
      %eq3A_540 = arith.cmpi eq, %iota3A_12, %eq3A_539 : vector<512x1000xi32>
      %jit3A_541 = arith.constant -1 : i32
      %broadcast_in_dim3A_542 = vector.broadcast %jit3A_541 : i32 to vector<512x1000xi32>
      %select_n3A_543 = arith.select %eq3A_540, %broadcast_in_dim3A_542, %shift_right_logical3A_538 : vector<512x1000xi1>, vector<512x1000xi32>
      %reduce_max3A_544 = arith.constant dense<-2147483648> : vector<512xi32>
      %reduce_max3A_545 = vector.multi_reduction <maxsi>, %select_n3A_543, %reduce_max3A_544 [1] : vector<512x1000xi32> to vector<512xi32>
      %broadcast_in_dim3A_546 = vector.shape_cast %reduce_max3A_545 : vector<512xi32> to vector<512x1xi32>
      %eq3A_547 = vector.broadcast %broadcast_in_dim3A_546 : vector<512x1xi32> to vector<512x1000xi32>
      %eq3A_548 = arith.cmpi eq, %select_n3A_543, %eq3A_547 : vector<512x1000xi32>
      %jit3A_549 = arith.constant 1000 : i32
      %broadcast_in_dim3A_550 = vector.broadcast %jit3A_549 : i32 to vector<512x1000xi32>
      %select_n3A_551 = arith.select %eq3A_548, %iota3A_12, %broadcast_in_dim3A_550 : vector<512x1000xi1>, vector<512x1000xi32>
      %reduce_min3A_552 = arith.constant dense<2147483647> : vector<512xi32>
      %reduce_min3A_553 = vector.multi_reduction <minsi>, %select_n3A_551, %reduce_min3A_552 [1] : vector<512x1000xi32> to vector<512xi32>
      %broadcast_in_dim3A_554 = vector.shape_cast %reduce_min3A_553 : vector<512xi32> to vector<512x1xi32>
      %select_n3A_555 = arith.select %eq3A_287, %broadcast_in_dim3A_554, %broadcast_in_dim3A_258 : vector<512x1xi1>, vector<512x1xi32>
      %swap3A_556 = arith.constant 0 : index
      %swap3A_557 = arith.constant 0 : index
      %swap3A_558 = vector.load %arg2[%swap3A_556, %swap3A_557] : memref<512x1xi32, #tpu.memory_space<vmem>>, vector<512x1xi32>
      tpu.vector_store %arg2[%swap3A_556, %swap3A_557], %select_n3A_555 {strides = array<i32>} : memref<512x1xi32, #tpu.memory_space<vmem>>, vector<512x1xi32>,
    } else {
    }
    return
  }
  func.func @transform_1(%arg0: i32) -> (i32, i32) {
    %c0_i32 = arith.constant 0 : i32
    %c0_i32_0 = arith.constant 0 : i32
    return %arg0, %c0_i32 : i32, i32
  }
  func.func @transform_2(%arg0: i32) -> (i32, i32) {
    %c0_i32 = arith.constant 0 : i32
    %c0_i32_0 = arith.constant 0 : i32
    return %arg0, %c0_i32 : i32, i32
  }
}

</mosaic_0001>

<sc_bundles>
// kernel: kernel.4.cloned.1.call-start
scs
__scs_entry_jumppad:
0x0: {  	(pc) =	sbr.rel $0x88, $3  }
0x1: {  	(tag) =	ssettag $0x0;
	lr =	simm.s32 $0x1  }
0x2: {  	[smem:$0x3FA0] =	sst lr;
	_ =	strace $0xD0000000  }
0x3: {  	_ = 	snop  }
0x4: {  	_ = 	snop  }
0x5: {  	_ = 	snop  }
0x6: {  	_ = 	snop  }
0x7: {  	_ = 	snop  }
__scs_overlays_trampoline_lowered:
0x8: {  	[smem:$0x3FAF] =	sst s0  }
0x9: {  	[smem:$0x3FB0] =	sst s1  }
0xa: {  	[smem:$0x3FB1] =	sst s2  }
0xb: {  	[smem:$0x3FB2] =	sst s3  }
0xc: {  	[smem:$0x3FB3] =	sst s4  }
0xd: {  	[smem:$0x3FB4] =	sst s5  }
0xe: {  	[smem:$0x3FB5] =	sst s6  }
0xf: {  	[smem:$0x3FB6] =	sst s7  }
0x10: {  	[smem:$0x3FB7] =	sst s8  }
0x11: {  	[smem:$0x3FB8] =	sst s9;
	s0 =	simm.s32 @!p0 $0x0  }
0x12: {  	s1 =	sld [smem:$0x3F9E];
	s0 =	simm.s32 @p0 $0x1  }
0x13: {  	[smem:$0x3FB9] =	sst s0;
	s0 =	simm.s32 @!p1 $0x0  }
0x14: {  	s2 =	sld [smem:$0x3F9D];
	s0 =	simm.s32 @p1 $0x1  }
0x15: {  	[smem:$0x3FBA] =	sst s0;
	s0 =	simm.s32 @!p2 $0x0  }
0x16: {  	s3 =	sld [smem:$0x3FDB];
	s0 =	simm.s32 @p2 $0x1  }
0x17: {  	s4 =	simm.s32 $0x1BF5;
	[smem:$0x3FBC] =	sst s0  }
0x18: {  	s0 =	sld [smem:$0x3F9F];
	_ =	swait.ge [sflag:s4], $0x0  }
0x19: {  	s7 =	sld [smem:$0x3FA0]  }
0x1a: {  	s8 =	sadd.s32 $0xFFFFE003, lr  }
0x1b: {  	s9 =	sadd.s32 $0xFFFFFEF7, lr;
	s5 =	simm.s32 $0xFFFFFFFF;
	p2 =	slt.u32 s8, $0xFFFFF086  }
0x1c: {  	p1 =	slt.u32 s9, $0xF7A;
	s5 =	simm.s32 @!p2 $0x0  }
0x1d: {  	s5 =	simm.s32 @p1 $0x1;
	p0 =	seq.s32 s7, s2  }
0x1e: {  	s7 =	smul.u32 @!p0 $0xF7A, s2;
	p2 =	seq.s32 @!p0 s5, $0x0  }
0x1f: {  	s9 =	smul.u32 $0xF7A, s1;
	s8 =	simm.s32 @!p0 $0x1BF5;
	p2 =	por !p2, p0  }
0x20: {  	[sflag:s8] =	ssyncset.s32 @!p0 $0xFFFFF086;
	s6 =	sadd.s32 @!p0 s3, s7;
	s7 =	simm.s32 @!p0 $0x108  }
0x21: {  	s3 =	sadd.s32 s3, s9;
	s6 =	sadd.s32 @!p0 $0x88, s6;
	s7 =	simm.s32 @p2 $0x1082  }
0x22: {  	[simem:s7], [sflag:s8] =	dma.local @!p0 [hbm:s6], $0xF7A  }
0x23: {  	s9 =	sor.u32 $0xD0000000, s2;
	s6 =	simm.s32 $0x108;
	_ =	swait.ge @!p0 [sflag:s8], $0x0  }
0x24: {  	s3 =	sadd.s32 $0x88, s3;
	s6 =	simm.s32 @!p1 $0x1082;
	[sflag:s4] =	ssyncset.s32 $0xFFFFF086  }
0x25: {  	[simem:s6], [sflag:s4] =	dma.local [hbm:s3], $0xF7A  }
0x26: {  	[smem:$0x3FA0] =	sst s1;
	(tag) =	ssettag s2;
	_ =	strace s9  }
0x27: {  	s1 =	sld [smem:$0x3FB0]  }
0x28: {  	s2 =	sld [smem:$0x3FB1]  }
0x29: {  	s4 =	sld [smem:$0x3FB3]  }
0x2a: {  	p0 =	seq.s32 s5, $0x0;
	s5 =	sld [smem:$0x3FB4]  }
0x2b: {  	s6 =	sld [smem:$0x3FB5]  }
0x2c: {  	s7 =	sld [smem:$0x3FB6]  }
0x2d: {  	s3 =	simm.s32 $0x108;
	s8 =	sld [smem:$0x3FB7]  }
0x2e: {  	s3 =	simm.s32 @!p0 $0x1082;
	s9 =	sld [smem:$0x3FB8]  }
0x2f: {  	lr =	sadd.s32 s0, s3;
	s0 =	sld [smem:$0x3FAF]  }
0x30: {  	s3 =	sld [smem:$0x3FB2]  }
0x31: {  	[smem:$0x3FBB] =	sst s10  }
0x32: {  	s10 =	sld [smem:$0x3FB9];
	_ =	sdelay $0x3  }
0x33: {  	p0 =	seq.s32 s10, $0x1;
	s10 =	sld [smem:$0x3FBB];
	_ =	sdelay $0x3  }
0x34: {  	[smem:$0x3FBB] =	sst s10  }
0x35: {  	s10 =	sld [smem:$0x3FBA];
	_ =	sdelay $0x3  }
0x36: {  	p1 =	seq.s32 s10, $0x1;
	s10 =	sld [smem:$0x3FBB];
	_ =	sdelay $0x3  }
0x37: {  	[smem:$0x3FBB] =	sst s10  }
0x38: {  	s10 =	sld [smem:$0x3FBC]  }
0x39: {  	_ = 	snop;
	(pc) =	sbr.ind lr, $3  }
0x3a: {  	_ = 	snop  }
0x3b: {  	_ = 	snop  }
0x3c: {  	p2 =	seq.s32 s10, $0x1;
	s10 =	sld [smem:$0x3FBB]  }
0x3d: {  	_ =	shalt  }
0x3e: {  	_ =	shalt  }
0x3f: {  	_ =	shalt  }
0x40: {  	_ =	shalt  }
0x41: {  	_ =	shalt  }
0x42: {  	_ =	shalt  }
0x43: {  	_ =	shalt  }
0x44: {  	_ =	shalt  }
0x45: {  	_ =	shalt  }
0x46: {  	_ =	shalt  }
0x47: {  	_ =	shalt  }
0x48: {  	_ =	shalt  }
0x49: {  	_ =	shalt  }
0x4a: {  	_ =	shalt  }
0x4b: {  	_ =	shalt  }
0x4c: {  	_ =	shalt  }
0x4d: {  	_ =	shalt  }
0x4e: {  	_ =	shalt  }
0x4f: {  	_ =	shalt  }
0x50: {  	_ =	shalt  }
0x51: {  	_ =	shalt  }
0x52: {  	_ =	shalt  }
0x53: {  	_ =	shalt  }
0x54: {  	_ =	shalt  }
0x55: {  	_ =	shalt  }
0x56: {  	_ =	shalt  }
0x57: {  	_ =	shalt  }
0x58: {  	_ =	shalt  }
0x59: {  	_ =	shalt  }
0x5a: {  	_ =	shalt  }
0x5b: {  	_ =	shalt  }
0x5c: {  	_ =	shalt  }
0x5d: {  	_ =	shalt  }
0x5e: {  	_ =	shalt  }
0x5f: {  	_ =	shalt  }
0x60: {  	_ =	shalt  }
0x61: {  	_ =	shalt  }
0x62: {  	_ =	shalt  }
0x63: {  	_ =	shalt  }
0x64: {  	_ =	shalt  }
0x65: {  	_ =	shalt  }
0x66: {  	_ =	shalt  }
0x67: {  	_ =	shalt  }
0x68: {  	_ =	shalt  }
0x69: {  	_ =	shalt  }
0x6a: {  	_ =	shalt  }
0x6b: {  	_ =	shalt  }
0x6c: {  	_ =	shalt  }
0x6d: {  	_ =	shalt  }
0x6e: {  	_ =	shalt  }
0x6f: {  	_ =	shalt  }
0x70: {  	_ =	shalt  }
0x71: {  	_ =	shalt  }
0x72: {  	_ =	shalt  }
0x73: {  	_ =	shalt  }
0x74: {  	_ =	shalt  }
0x75: {  	_ =	shalt  }
0x76: {  	_ =	shalt  }
0x77: {  	_ =	shalt  }
0x78: {  	_ =	shalt  }
0x79: {  	_ =	shalt  }
0x7a: {  	_ =	shalt  }
0x7b: {  	_ =	shalt  }
0x7c: {  	_ =	shalt  }
0x7d: {  	_ =	shalt  }
0x7e: {  	_ =	shalt  }
0x7f: {  	_ =	shalt  }
0x80: {  	_ =	shalt  }
0x81: {  	_ =	shalt  }
0x82: {  	_ =	shalt  }
0x83: {  	_ =	shalt  }
0x84: {  	_ =	shalt  }
0x85: {  	_ =	shalt  }
0x86: {  	_ =	shalt  }
0x87: {  	_ =	shalt  }
.Lfunc_end0:
.L_simem_size_0:
called_computation_lowered:
.L_overlay_start_0:
0x88: {  	s2 =	sld [smem:$0x3FD9]  }
0x89: {  	s3 =	sld [smem:$0x3FFE];
	_ =	sdelay $0x1  }
0x8a: {  	s1 =	srdreg.scid  }
0x8b: {  	s0 =	sand.u32 $0x1, s1  }
0x8c: {  	s14 =	sshll.u32 s0, $0xA;
	s2 =	sadd.s32 s3, s2  }
0x8d: {  	s2 =	sadd.s32 s2, s14  }
0x8e: {  	[smem:$0x3FC7] =	sst s2  }
0x8f: {  	_ = 	snop  }
0x90: {  	s2 =	sld [smem:$0x3FD0];
	_ =	sdelay $0x2  }
0x91: {  	s15 =	simm.s32 $0xA;
	s4 =	simm.s32 $0x10  }
0x92: {  	[smem:s4], [sflag:s15] =	dma.local [hbm:s2], $0x1  }
0x93: {  	_ =	swait.eq [sflag:s15], $0x1  }
0x94: {  	[sflag:s15] =	ssyncset.done $0x0  }
0x95: {  	[sflag:s15] =	ssyncadd.s32 $0xFFFFFFFF  }
0x96: {  	s16 =	sld [smem:$0x10];
	(tm) =	ssettm $0x1  }
0x97: {  	s17 =	sld [smem:$0x3FFB];
	_ =	sdelay $0x3  }
0x98: {  	_ =	strace s17  }
0x99: {  	s3 =	sld [smem:$0x3FFC];
	_ =	sdelay $0x3  }
0x9a: {  	_ =	strace s3  }
0x9b: {  	s3 =	sld [smem:$0x3FFD];
	_ =	sdelay $0x3  }
0x9c: {  	_ =	strace s3  }
0x9d: {  	_ =	strace $0x8FFFFFFF  }
0x9e: {  	s18 =	sld [smem:$0x3FDB];
	_ =	sdelay $0x1  }
0x9f: {  	s19 =	simm.s32 $_scs_section_size  }
0xa0: {  	s5 =	simm.s32 $_size__tile_overlayer_lowered;
	s6 =	simm.s32 $_tile_overlayer_lowered  }
0xa1: {  	s22 =	simm.s32 $0x1BFF;
	s21 =	sshll.u32 s6, $0x1;
	s3 =	sadd.s32 s19, s18  }
0xa2: {  	s7 =	simm.s32 $0x0;
	s20 =	sshll.u32 s5, $0x1;
	s5 =	sadd.s32 s21, s3  }
0xa3: {  	[timem:s7], [sflag:s22] =	dma.local [hbm:s5], s20  }
0xa4: {  	_ =	swait.ge [sflag:s22], s20  }
0xa5: {  	s4 =	ssub.s32 $0x0, s20;
	[sflag:s22] =	ssyncset.done $0x0  }
0xa6: {  	[sflag:s22] =	ssyncadd.s32 s4;
	_ =	sdelay $0x1  }
0xa7: {  	s23 =	simm.s32 $0x1B8B  }
0xa8: {  	_ =	swait.ge [sflag:s23], $0x1  }
0xa9: {  	[sflag:s23] =	ssyncset.done $0x0  }
0xaa: {  	s25 =	simm.s32 $0x1B8E;
	s24 =	sld [smem:$0x3FFE];
	[sflag:s23] =	ssyncadd.s32 $0xFFFFFFFF  }
0xab: {  	s26 =	simm.s32 $execute0_lowered;
	[smem:$0x3FD2] =	sst s25  }
0xac: {  	s5 =	sshll.u32 s26, $0x1;
	_ =	strace $0x80000046;
	[dreg:$0x1] =	wrdreg $0xFFFFFFFF  }
0xad: {  	s28 =	simm.s32 $_size_execute0_lowered;
	s3 =	sadd.s32 s3, s5;
	[dreg:$0x0] =	wrdreg $0x0  }
0xae: {  	s5 =	sshll.u32 s28, $0x1;
	[dreg:$0x2] =	wrdreg s3  }
0xaf: {  	[dreg:$0x3] =	wrdreg s5  }
0xb0: {  	[dreg:$0x4] =	wrdreg $0xC0  }
0xb1: {  	_ =	task [dreg:s7], $0x5FFFF  }
0xb2: {  	[dreg:$0x1] =	wrdreg $0xFFFFFFFF  }
0xb3: {  	[dreg:$0x0] =	wrdreg $0x60  }
0xb4: {  	[dreg:$0x2] =	wrdreg s16  }
0xb5: {  	[dreg:$0x3] =	wrdreg s24  }
0xb6: {  	[dreg:$0x4] =	wrdreg $0x9  }
0xb7: {  	_ =	task.clear_ibuf [dreg:s7], $0x5FFFF;
	_ =	strace $0x90000046  }
0xb8: {  	s29 =	simm.s32 $0x9;
	_ =	strace $0x80000048  }
0xb9: {  	_ =	swait.ge [sflag:s29], $0x1  }
0xba: {  	[sflag:s29] =	ssyncadd.s32 $0xFFFFFFFF  }
0xbb: {  	_ =	strace $0x90000048  }
0xbc: {  	_ =	sfence  }
0xbd: {  	s30 =	sld [smem:$0x0];
	_ =	sdelay $0x2  }
0xbe: {  	s31 =	sshll.u32 s1, $0xD;
	s1 =	sshrl.u32 s1, $0x2  }
0xbf: {  	s3 =	sand.u32 $0x4000, s31;
	s1 =	sadd.s32 s1, s30  }
0xc0: {  	s0 =	sor.u32 s3, s0;
	s1 =	sshll.u32 s1, $0x11  }
0xc1: {  	s0 =	sor.u32 s1, s0  }
0xc2: {  	s0 =	sadd.s32 $0x8F2B, s0  }
0xc3: {  	[sflag:s0] =	ssyncadd.remote.s32 $0x1  }
0xc4: {  	_ =	sfence.sel $0xFFFF  }
0xc5: {  	[dreg:$0x0] =	wrdreg $0xFFFFFFFF;
	(pc) =	sbr.abs _section_cstart, $3  }
0xc6: {  	[dreg:$0x1] =	wrdreg $0xFFFFFFFF  }
0xc7: {  	_ =	task.clear_ibuf [dreg:s7], $0x2FFFF;
	_ =	strace $0x9FFFFFFF  }
0xc8: {  	(tm) =	ssettm $0x7FFFFFFF  }
0xc9: {  	_ =	shalt  }
tec
execute0_lowered:
.L_overlay_start_1:
0x0: {  	(tag) =	ssettag $0x1  }
0x1: {  	s1 =	rddreg [dreg:$0x0]  }
0x2: {  	s5 =	rddreg [dreg:$0x1]  }
0x3: {  	s0 =	rddreg [dreg:$0x2]  }
0x4: {  	s3 =	simm.s32 $0x0;
	s4 =	srdreg.scid;
	s2 =	stileid.u32  }
0x5: {  	[smem:$0x7FF] =	sst s3;
	s19 =	sand.u32 $0x1, s4;
	s6 =	sshll.u32 s2, $0xF  }
0x6: {  	s4 =	simm.s32 $0x1;
	_ =	strace $0x80000047;
	s7 =	sshll.u32 s19, $0xE  }
0x7: {  	[tilespmem:s3], [sflag:$0x1] =	stream.linear.gather [hbm4b:s1+s3], $0x2000, $0x38;
	[tilespmem:$0x2000] =	vst v63  }
0x8: {  	s6 =	sor.u32 s7, s6;
	_ =	swait.ge [sflag:s4], $0x2000  }
0x9: {  	s20 =	sadd.s32 s6, s5;
	[sflag:s4] =	ssyncset.done $0x0  }
0xa: {  	s5 =	sadd.s32 $0x600, s20;
	[sflag:s4] =	ssyncadd.s32 $0xFFFFE000  }
0xb: {  	[hbm4b:s5+s3] =	stream.linear.scatter [tilespmem:s3], [sflag:$0x1], $0x2000, $0x38;
	[tilespmem:$0x2000] =	vst v63  }
0xc: {  	_ =	swait.ge [sflag:s4], $0x2000  }
0xd: {  	[sflag:s4] =	ssyncset.done $0x0  }
0xe: {  	s6 =	sadd.s32 $0xA00, s20;
	[sflag:s4] =	ssyncadd.s32 $0xFFFFE000  }
0xf: {  	[hbm4b:s6+s3] =	stream.linear.scatter [tilespmem:s3], [sflag:$0x1], $0x2000, $0x38;
	[tilespmem:$0x2000] =	vst v63  }
0x10: {  	_ =	swait.ge [sflag:s4], $0x2000  }
0x11: {  	[sflag:s4] =	ssyncset.done $0x0  }
0x12: {  	s7 =	sadd.s32 $0xE00, s20;
	[sflag:s4] =	ssyncadd.s32 $0xFFFFE000  }
0x13: {  	[hbm4b:s7+s3] =	stream.linear.scatter [tilespmem:s3], [sflag:$0x1], $0x2000, $0x38;
	[tilespmem:$0x2000] =	vst v63  }
0x14: {  	_ =	swait.ge [sflag:s4], $0x2000  }
0x15: {  	[sflag:s4] =	ssyncset.done $0x0  }
0x16: {  	s8 =	sadd.s32 $0x1200, s20;
	[sflag:s4] =	ssyncadd.s32 $0xFFFFE000  }
0x17: {  	[hbm4b:s8+s3] =	stream.linear.scatter [tilespmem:s3], [sflag:$0x1], $0x2000, $0x38;
	[tilespmem:$0x2000] =	vst v63  }
0x18: {  	_ =	swait.ge [sflag:s4], $0x2000  }
0x19: {  	[sflag:s4] =	ssyncset.done $0x0  }
0x1a: {  	s9 =	sadd.s32 $0x1600, s20;
	[sflag:s4] =	ssyncadd.s32 $0xFFFFE000  }
0x1b: {  	[hbm4b:s9+s3] =	stream.linear.scatter [tilespmem:s3], [sflag:$0x1], $0x2000, $0x38;
	[tilespmem:$0x2000] =	vst v63  }
0x1c: {  	_ =	swait.ge [sflag:s4], $0x2000  }
0x1d: {  	[sflag:s4] =	ssyncset.done $0x0  }
0x1e: {  	s10 =	sadd.s32 $0x1A00, s20;
	[sflag:s4] =	ssyncadd.s32 $0xFFFFE000  }
0x1f: {  	[hbm4b:s10+s3] =	stream.linear.scatter [tilespmem:s3], [sflag:$0x1], $0x2000, $0x38;
	[tilespmem:$0x2000] =	vst v63  }
0x20: {  	_ =	swait.ge [sflag:s4], $0x2000  }
0x21: {  	[sflag:s4] =	ssyncset.done $0x0  }
0x22: {  	s11 =	sadd.s32 $0x1E00, s20;
	[sflag:s4] =	ssyncadd.s32 $0xFFFFE000  }
0x23: {  	[hbm4b:s11+s3] =	stream.linear.scatter [tilespmem:s3], [sflag:$0x1], $0x2000, $0x38;
	[tilespmem:$0x2000] =	vst v63  }
0x24: {  	_ =	swait.ge [sflag:s4], $0x2000  }
0x25: {  	[sflag:s4] =	ssyncset.done $0x0  }
0x26: {  	s12 =	sadd.s32 $0x2200, s20;
	[sflag:s4] =	ssyncadd.s32 $0xFFFFE000  }
0x27: {  	[hbm4b:s12+s3] =	stream.linear.scatter [tilespmem:s3], [sflag:$0x1], $0x2000, $0x38;
	[tilespmem:$0x2000] =	vst v63  }
0x28: {  	_ =	swait.ge [sflag:s4], $0x2000  }
0x29: {  	[sflag:s4] =	ssyncset.done $0x0  }
0x2a: {  	s13 =	sadd.s32 $0x2600, s20;
	[sflag:s4] =	ssyncadd.s32 $0xFFFFE000  }
0x2b: {  	[hbm4b:s13+s3] =	stream.linear.scatter [tilespmem:s3], [sflag:$0x1], $0x2000, $0x38;
	[tilespmem:$0x2000] =	vst v63  }
0x2c: {  	_ =	swait.ge [sflag:s4], $0x2000  }
0x2d: {  	[sflag:s4] =	ssyncset.done $0x0  }
0x2e: {  	s14 =	sadd.s32 $0x2A00, s20;
	[sflag:s4] =	ssyncadd.s32 $0xFFFFE000  }
0x2f: {  	[hbm4b:s14+s3] =	stream.linear.scatter [tilespmem:s3], [sflag:$0x1], $0x2000, $0x38;
	[tilespmem:$0x2000] =	vst v63  }
0x30: {  	_ =	swait.ge [sflag:s4], $0x2000  }
0x31: {  	[sflag:s4] =	ssyncset.done $0x0  }
0x32: {  	s15 =	sadd.s32 $0x2E00, s20;
	[sflag:s4] =	ssyncadd.s32 $0xFFFFE000  }
0x33: {  	[hbm4b:s15+s3] =	stream.linear.scatter [tilespmem:s3], [sflag:$0x1], $0x2000, $0x38;
	[tilespmem:$0x2000] =	vst v63  }
0x34: {  	_ =	swait.ge [sflag:s4], $0x2000  }
0x35: {  	[sflag:s4] =	ssyncset.done $0x0  }
0x36: {  	s16 =	sadd.s32 $0x3200, s20;
	[sflag:s4] =	ssyncadd.s32 $0xFFFFE000  }
0x37: {  	[hbm4b:s16+s3] =	stream.linear.scatter [tilespmem:s3], [sflag:$0x1], $0x2000, $0x38;
	[tilespmem:$0x2000] =	vst v63  }
0x38: {  	_ =	swait.ge [sflag:s4], $0x2000  }
0x39: {  	[sflag:s4] =	ssyncset.done $0x0  }
0x3a: {  	s17 =	sadd.s32 $0x3600, s20;
	[sflag:s4] =	ssyncadd.s32 $0xFFFFE000  }
0x3b: {  	[hbm4b:s17+s3] =	stream.linear.scatter [tilespmem:s3], [sflag:$0x1], $0x2000, $0x38;
	[tilespmem:$0x2000] =	vst v63  }
0x3c: {  	_ =	swait.ge [sflag:s4], $0x2000  }
0x3d: {  	[sflag:s4] =	ssyncset.done $0x0  }
0x3e: {  	s21 =	ssub.s32 $0x2, s19;
	s18 =	sadd.s32 $0x3A00, s20;
	[sflag:s4] =	ssyncadd.s32 $0xFFFFE000  }
0x3f: {  	[hbm4b:s18+s3] =	stream.linear.scatter [tilespmem:s3], [sflag:$0x1], $0x2000, $0x38;
	[tilespmem:$0x2000] =	vst v63  }
0x40: {  	s22 =	sshrl.u32 s21, $0x1;
	_ =	swait.ge [sflag:s4], $0x2000  }
0x41: {  	s21 =	ssub.s32 s21, s22;
	[sflag:s4] =	ssyncset.done $0x0  }
0x42: {  	s19 =	sadd.s32 $0x3E00, s20;
	s21 =	smax.u32 s21, $0x1;
	[sflag:s4] =	ssyncadd.s32 $0xFFFFE000  }
0x43: {  	[hbm4b:s19+s3] =	stream.linear.scatter [tilespmem:s3], [sflag:$0x1], $0x2000, $0x38;
	[tilespmem:$0x2000] =	vst v63  }
0x44: {  	p0 =	sne.s32 s21, $0x1;
	_ =	swait.ge [sflag:s4], $0x2000  }
.Ltmp0:
0x45: {  	[sflag:s4] =	ssyncset.done $0x0;
	(pc) =	sbr.rel @!p0 .LBB2_2-.Ltmp0, $4  }
0x46: {  	s20 =	sadd.s32 $0x4200, s20;
	[sflag:s4] =	ssyncadd.s32 $0xFFFFE000  }
0x47: {  	[hbm4b:s20+s3] =	stream.linear.scatter [tilespmem:s3], [sflag:$0x1], $0x2000, $0x38;
	[tilespmem:$0x2000] =	vst v63  }
0x48: {  	_ =	swait.ge [sflag:s4], $0x2000  }
0x49: {  	s21 =	sadd.s32 $0xFFFFFFFF, s21;
	[sflag:s4] =	ssyncset.done $0x0  }
.LBB2_1:
0x4a: {  	p0 =	sne.s32 s21, $0x1;
	s21 =	sadd.s32 $0xFFFFFFFF, s21;
	[sflag:s4] =	ssyncadd.s32 $0xFFFFE000  }
0x4b: {  	[tilespmem:s3], [sflag:$0x1] =	stream.linear.gather [hbm4b:s1+s3], $0x2000, $0x38;
	[tilespmem:$0x2000] =	vst v63  }
0x4c: {  	_ =	swait.ge [sflag:s4], $0x2000  }
0x4d: {  	[sflag:s4] =	ssyncset.done $0x0  }
0x4e: {  	[sflag:s4] =	ssyncadd.s32 $0xFFFFE000  }
0x4f: {  	[hbm4b:s5+s3] =	stream.linear.scatter [tilespmem:s3], [sflag:$0x1], $0x2000, $0x38;
	[tilespmem:$0x2000] =	vst v63  }
0x50: {  	_ =	swait.ge [sflag:s4], $0x2000  }
0x51: {  	[sflag:s4] =	ssyncset.done $0x0  }
0x52: {  	[sflag:s4] =	ssyncadd.s32 $0xFFFFE000  }
0x53: {  	[hbm4b:s6+s3] =	stream.linear.scatter [tilespmem:s3], [sflag:$0x1], $0x2000, $0x38;
	[tilespmem:$0x2000] =	vst v63  }
0x54: {  	_ =	swait.ge [sflag:s4], $0x2000  }
0x55: {  	[sflag:s4] =	ssyncset.done $0x0  }
0x56: {  	[sflag:s4] =	ssyncadd.s32 $0xFFFFE000  }
0x57: {  	[hbm4b:s7+s3] =	stream.linear.scatter [tilespmem:s3], [sflag:$0x1], $0x2000, $0x38;
	[tilespmem:$0x2000] =	vst v63  }
0x58: {  	_ =	swait.ge [sflag:s4], $0x2000  }
0x59: {  	[sflag:s4] =	ssyncset.done $0x0  }
0x5a: {  	[sflag:s4] =	ssyncadd.s32 $0xFFFFE000  }
0x5b: {  	[hbm4b:s8+s3] =	stream.linear.scatter [tilespmem:s3], [sflag:$0x1], $0x2000, $0x38;
	[tilespmem:$0x2000] =	vst v63  }
0x5c: {  	_ =	swait.ge [sflag:s4], $0x2000  }
0x5d: {  	[sflag:s4] =	ssyncset.done $0x0  }
0x5e: {  	[sflag:s4] =	ssyncadd.s32 $0xFFFFE000  }
0x5f: {  	[hbm4b:s9+s3] =	stream.linear.scatter [tilespmem:s3], [sflag:$0x1], $0x2000, $0x38;
	[tilespmem:$0x2000] =	vst v63  }
0x60: {  	_ =	swait.ge [sflag:s4], $0x2000  }
0x61: {  	[sflag:s4] =	ssyncset.done $0x0  }
0x62: {  	[sflag:s4] =	ssyncadd.s32 $0xFFFFE000  }
0x63: {  	[hbm4b:s10+s3] =	stream.linear.scatter [tilespmem:s3], [sflag:$0x1], $0x2000, $0x38;
	[tilespmem:$0x2000] =	vst v63  }
0x64: {  	_ =	swait.ge [sflag:s4], $0x2000  }
0x65: {  	[sflag:s4] =	ssyncset.done $0x0  }
0x66: {  	[sflag:s4] =	ssyncadd.s32 $0xFFFFE000  }
0x67: {  	[hbm4b:s11+s3] =	stream.linear.scatter [tilespmem:s3], [sflag:$0x1], $0x2000, $0x38;
	[tilespmem:$0x2000] =	vst v63  }
0x68: {  	_ =	swait.ge [sflag:s4], $0x2000  }
0x69: {  	[sflag:s4] =	ssyncset.done $0x0  }
0x6a: {  	[sflag:s4] =	ssyncadd.s32 $0xFFFFE000  }
0x6b: {  	[hbm4b:s12+s3] =	stream.linear.scatter [tilespmem:s3], [sflag:$0x1], $0x2000, $0x38;
	[tilespmem:$0x2000] =	vst v63  }
0x6c: {  	_ =	swait.ge [sflag:s4], $0x2000  }
0x6d: {  	[sflag:s4] =	ssyncset.done $0x0  }
0x6e: {  	[sflag:s4] =	ssyncadd.s32 $0xFFFFE000  }
0x6f: {  	[hbm4b:s13+s3] =	stream.linear.scatter [tilespmem:s3], [sflag:$0x1], $0x2000, $0x38;
	[tilespmem:$0x2000] =	vst v63  }
0x70: {  	_ =	swait.ge [sflag:s4], $0x2000  }
0x71: {  	[sflag:s4] =	ssyncset.done $0x0  }
0x72: {  	[sflag:s4] =	ssyncadd.s32 $0xFFFFE000  }
0x73: {  	[hbm4b:s14+s3] =	stream.linear.scatter [tilespmem:s3], [sflag:$0x1], $0x2000, $0x38;
	[tilespmem:$0x2000] =	vst v63  }
0x74: {  	_ =	swait.ge [sflag:s4], $0x2000  }
0x75: {  	[sflag:s4] =	ssyncset.done $0x0  }
0x76: {  	[sflag:s4] =	ssyncadd.s32 $0xFFFFE000  }
0x77: {  	[hbm4b:s15+s3] =	stream.linear.scatter [tilespmem:s3], [sflag:$0x1], $0x2000, $0x38;
	[tilespmem:$0x2000] =	vst v63  }
0x78: {  	_ =	swait.ge [sflag:s4], $0x2000  }
0x79: {  	[sflag:s4] =	ssyncset.done $0x0  }
0x7a: {  	[sflag:s4] =	ssyncadd.s32 $0xFFFFE000  }
0x7b: {  	[hbm4b:s16+s3] =	stream.linear.scatter [tilespmem:s3], [sflag:$0x1], $0x2000, $0x38;
	[tilespmem:$0x2000] =	vst v63  }
0x7c: {  	_ =	swait.ge [sflag:s4], $0x2000  }
0x7d: {  	[sflag:s4] =	ssyncset.done $0x0  }
0x7e: {  	[sflag:s4] =	ssyncadd.s32 $0xFFFFE000  }
0x7f: {  	[hbm4b:s17+s3] =	stream.linear.scatter [tilespmem:s3], [sflag:$0x1], $0x2000, $0x38;
	[tilespmem:$0x2000] =	vst v63  }
0x80: {  	_ =	swait.ge [sflag:s4], $0x2000  }
0x81: {  	[sflag:s4] =	ssyncset.done $0x0  }
0x82: {  	[sflag:s4] =	ssyncadd.s32 $0xFFFFE000  }
0x83: {  	[hbm4b:s18+s3] =	stream.linear.scatter [tilespmem:s3], [sflag:$0x1], $0x2000, $0x38;
	[tilespmem:$0x2000] =	vst v63  }
0x84: {  	_ =	swait.ge [sflag:s4], $0x2000  }
0x85: {  	[sflag:s4] =	ssyncset.done $0x0  }
0x86: {  	[sflag:s4] =	ssyncadd.s32 $0xFFFFE000  }
0x87: {  	[hbm4b:s19+s3] =	stream.linear.scatter [tilespmem:s3], [sflag:$0x1], $0x2000, $0x38;
	[tilespmem:$0x2000] =	vst v63  }
0x88: {  	_ =	swait.ge [sflag:s4], $0x2000  }
.Ltmp1:
0x89: {  	[sflag:s4] =	ssyncset.done $0x0;
	(pc) =	sbr.rel @p0 .LBB2_1-.Ltmp1, $4  }
0x8a: {  	[sflag:s4] =	ssyncadd.s32 $0xFFFFE000  }
0x8b: {  	[hbm4b:s20+s3] =	stream.linear.scatter [tilespmem:s3], [sflag:$0x1], $0x2000, $0x38;
	[tilespmem:$0x2000] =	vst v63  }
0x8c: {  	_ =	swait.ge [sflag:s4], $0x2000  }
0x8d: {  	[sflag:s4] =	ssyncset.done $0x0  }
.LBB2_2:
0x8e: {  	[sflag:s4] =	ssyncadd.s32 $0xFFFFE000  }
0x8f: {  	_ =	sfence.sel $0x180000  }
0x90: {  	[bflag:$0x0] =	sbarrier.arrive $0xFFFF  }
0x91: {  	p0 =	sne.s32 s2, $0x0;
	_ =	strace $0x90000047  }
0x92: {  	s0 =	sadd.s32 @!p0 $0x100000, s0;
	[bflag:$0x2] =	sbarrier.arrive $0xFFFF  }
0x93: {  	[sflag:s0] =	ssyncadd.tile.s32 @!p0 $0x1;
	_ =	shalt  }
.Lfunc_end2:
_tile_overlayer_lowered:
.L_overlay_start_2:
0x94: {  	(tag) =	ssettag $0x2  }
0x95: {  	s0 =	rddreg [dreg:$0x0];
	s2 =	stileid.u32  }
0x96: {  	s1 =	rddreg [dreg:$0x1];
	p0 =	sne.s32 s2, $0x0  }
0x97: {  	s3 =	rddreg [dreg:$0x2];
	[bflag:$0x3] =	sbarrier.arrive $0xFFFF;
	s2 =	simm.s32 @!p0 $0x1C01  }
0x98: {  	[timem:s3], [sflag:s2] =	dma.local @!p0 [hbm:s0], s1  }
0x99: {  	s0 =	simm.s32 @!p0 $0x1  }
0x9a: {  	_ =	swait.ge @!p0 [sflag:s0], s1  }
0x9b: {  	s1 =	ssub.s32 @!p0 $0x0, s1;
	[sflag:s0] =	ssyncset.done @!p0 $0x0  }
0x9c: {  	[sflag:s0] =	ssyncadd.s32 @!p0 s1  }
0x9d: {  	[bflag:$0x3] =	sbarrier.arrive $0xFFFF  }
0x9e: {  	_ =	shalt  }

</sc_bundles>
